<compile_context>
chip_gen: v7x
topology: tpu7x:2x2x1
jax: 0.10.2.dev20260603
libtpu: 0.0.44.dev20260713+nightly
codegen_flags: <defaults>
</compile_context>

<pallas_src>
import functools

import jax
import jax.numpy as jnp
from jax import lax
from jax.experimental import pallas as pl
from jax.experimental.pallas import tpu as pltpu
from jax.experimental.pallas import tpu_sc as plsc

NC, NS, L = 2, 16, 16
NW = NC * NS
D = 1024
T = 2048
C = 8
VOCAB_PER_CB = 1024
K = 8
NCH = T // K
NBUF = 8
LAG = NBUF // 2
NITER = NCH // NBUF

_mesh = plsc.VectorSubcoreMesh(core_axis_name="c", subcore_axis_name="s")


@functools.partial(
    pl.kernel,
    out_type=jax.ShapeDtypeStruct((NW * T, D), jnp.float32),
    mesh=_mesh,
    scratch_types=[
        pltpu.VMEM((T,), jnp.int32),
        [pltpu.VMEM((K, D), jnp.float32) for _ in range(NBUF)],
        [pltpu.SemaphoreType.DMA for _ in range(NBUF)],
        [pltpu.SemaphoreType.DMA for _ in range(NBUF)],
    ],
)
def _gather_kernel(table_hbm, ids_hbm, out_hbm, idx_v, rows, gsem, wsem):
    wid = lax.axis_index("s") * NC + lax.axis_index("c")
    base = wid * T
    pltpu.sync_copy(ids_hbm.at[pl.ds(base, T)], idx_v)
    off = lax.rem(wid, C) * VOCAB_PER_CB

    def add_off(i, _):
        idx_v[pl.ds(i * L, L)] = idx_v[pl.ds(i * L, L)] + off
        return 0

    lax.fori_loop(0, T // L, add_off, 0)

    def gather_start(i, b):
        pltpu.async_copy(table_hbm.at[idx_v.at[pl.ds(i * K, K)]], rows[b], gsem[b])

    def gather_wait(i, b):
        pltpu.make_async_copy(
            table_hbm.at[idx_v.at[pl.ds(i * K, K)]], rows[b], gsem[b]
        ).wait()

    def write_start(i, b):
        pltpu.async_copy(rows[b], out_hbm.at[pl.ds(base + i * K, K)], wsem[b])

    def write_wait(i, b):
        pltpu.make_async_copy(
            rows[b], out_hbm.at[pl.ds(base + i * K, K)], wsem[b]
        ).wait()

    for b in range(NBUF):
        gather_start(b, b)

    for b in range(NBUF):
        gather_wait(b, b)
        write_start(b, b)
        i2 = b - LAG
        if i2 >= 0:
            write_wait(i2, i2 % NBUF)
            gather_start(i2 + NBUF, i2 % NBUF)

    def body(j, _):
        for b in range(NBUF):
            i = j * NBUF + b
            gather_wait(i, b)
            write_start(i, b)
            i2 = i - LAG
            b2 = (b - LAG) % NBUF

            @pl.when(i2 + NBUF < NCH)
            def _():
                write_wait(i2, b2)
                gather_start(i2 + NBUF, b2)

        return 0

    lax.fori_loop(1, NITER, body, 0)

    for b in range(NBUF):
        write_wait(NCH - NBUF + b, b)


def kernel(input_ids, table):
    b, c, t = input_ids.shape
    ids = input_ids.reshape(-1).astype(jnp.int32)
    out = _gather_kernel(table.astype(jnp.float32), ids)
    return out.reshape(b, c, t, D)

# --- scband reference (transcript-rebuilt; emitter-appended) ---
"""Pipeline reference for scband-multi-vocab-embeddings-88656714924743 (READ-ONLY COPY).

The authoritative reference and input builder live on the scoring server;
editing this copy changes nothing except your own understanding.
"""

import jax, jax.numpy as jnp
import numpy as np

# Audio RVQ codec config: 8 codebooks of 1024 entries each (EnCodec/SoundStream-style)
CODEBOOK_SIZES = [1024, 1024, 1024, 1024, 1024, 1024, 1024, 1024]
OFFSETS = np.cumsum([0] + CODEBOOK_SIZES[:-1]).astype(np.int32)  # [8]
TOTAL_VOCAB = int(sum(CODEBOOK_SIZES))  # 8192
PADDED_VOCAB = 128 * ((TOTAL_VOCAB + 127) // 128)  # 8192 (already multiple of 128)
EMBED_DIM = 1024
BATCH, N_CODEBOOKS, SEQ_LEN = 4, 8, 2048


def setup_inputs(seed: int = 0) -> dict:
    key = jax.random.key(seed)
    k1, k2 = jax.random.split(key)
    input_ids = jax.random.randint(k1, (BATCH, N_CODEBOOKS, SEQ_LEN), 0, 1024)
    # learned embedding table, sized per init (padded total vocab x embedding_dim)
    table = jax.random.normal(k2, (PADDED_VOCAB, EMBED_DIM), dtype=jnp.float32) * 0.02
    return {"input_ids": input_ids, "table": table}


def reference(input_ids, table):
    # offsets[c] shifts codebook-c ids into the concatenated vocab space
    offsets = jnp.asarray(OFFSETS, dtype=input_ids.dtype)
    shifted = input_ids + offsets[None, :, None]  # [B, C, T]
    # embedding lookup -> [B, C, T, D]
    return jnp.take(table, shifted, axis=0)

if __name__ == "__main__":
    import jax
    _d = setup_inputs()
    print(jax.jit(kernel)(*tuple(_d.values())))

</pallas_src>

<mosaic_0001>
#map = affine_map<(d0, d1) -> (0, 0)>
#map1 = affine_map<(d0, d1) -> (0)>
module attributes {stable_mosaic.version = 14 : i64} {
  func.func @_gather_kernel(%arg0: i32, %arg1: i32, %arg2: memref<8192x1024xf32, #tpu.memory_space<hbm>>, %arg3: memref<65536xi32, #tpu.memory_space<hbm>>, %arg4: memref<65536x1024xf32, #tpu.memory_space<hbm>>, %arg5: memref<2048xi32, #tpu.memory_space<vmem>>, %arg6: memref<8x1024xf32, #tpu.memory_space<vmem>>, %arg7: memref<8x1024xf32, #tpu.memory_space<vmem>>, %arg8: memref<8x1024xf32, #tpu.memory_space<vmem>>, %arg9: memref<8x1024xf32, #tpu.memory_space<vmem>>, %arg10: memref<8x1024xf32, #tpu.memory_space<vmem>>, %arg11: memref<8x1024xf32, #tpu.memory_space<vmem>>, %arg12: memref<8x1024xf32, #tpu.memory_space<vmem>>, %arg13: memref<8x1024xf32, #tpu.memory_space<vmem>>, %arg14: memref<!tpu.dma_semaphore, #tpu.memory_space<semaphore_mem>>, %arg15: memref<!tpu.dma_semaphore, #tpu.memory_space<semaphore_mem>>, %arg16: memref<!tpu.dma_semaphore, #tpu.memory_space<semaphore_mem>>, %arg17: memref<!tpu.dma_semaphore, #tpu.memory_space<semaphore_mem>>, %arg18: memref<!tpu.dma_semaphore, #tpu.memory_space<semaphore_mem>>, %arg19: memref<!tpu.dma_semaphore, #tpu.memory_space<semaphore_mem>>, %arg20: memref<!tpu.dma_semaphore, #tpu.memory_space<semaphore_mem>>, %arg21: memref<!tpu.dma_semaphore, #tpu.memory_space<semaphore_mem>>, %arg22: memref<!tpu.dma_semaphore, #tpu.memory_space<semaphore_mem>>, %arg23: memref<!tpu.dma_semaphore, #tpu.memory_space<semaphore_mem>>, %arg24: memref<!tpu.dma_semaphore, #tpu.memory_space<semaphore_mem>>, %arg25: memref<!tpu.dma_semaphore, #tpu.memory_space<semaphore_mem>>, %arg26: memref<!tpu.dma_semaphore, #tpu.memory_space<semaphore_mem>>, %arg27: memref<!tpu.dma_semaphore, #tpu.memory_space<semaphore_mem>>, %arg28: memref<!tpu.dma_semaphore, #tpu.memory_space<semaphore_mem>>, %arg29: memref<!tpu.dma_semaphore, #tpu.memory_space<semaphore_mem>>) attributes {dimension_semantics = [#tpu.dimension_semantics<core_parallel>, #tpu.dimension_semantics<subcore_parallel>], iteration_bounds = array<i64: 2, 16>, scalar_prefetch = 0 : i64, scratch_operands = 25 : i64, tpu.core_type = #tpu.core_type<sc_vector_subcore>, window_params = [{transform_indices = #map}, {transform_indices = #map1}, {transform_indices = #map}]} {
    %mul3A = arith.constant 2 : i32
    %mul3A_0 = arith.muli %arg1, %mul3A : i32
    %add3A = arith.addi %mul3A_0, %arg0 : i32
    %mul3A_1 = arith.constant 2048 : i32
    %mul3A_2 = arith.muli %add3A, %mul3A_1 : i32
    "tpu.region"() ({
      %run_scoped3A = tpu.sem_alloc : memref<!tpu.dma_semaphore, #tpu.memory_space<semaphore_mem>>
      %dma_start3A_237 = tpu.memref_slice %arg3[%mul3A_2] : memref<65536xi32, #tpu.memory_space<hbm>> -> memref<2048xi32, #tpu.memory_space<hbm>>
      %dma_start3A_238 = tpu.memref_slice %arg3[%mul3A_2] : memref<65536xi32, #tpu.memory_space<hbm>> -> memref<2048xi32, #tpu.memory_space<hbm>>
      tpu.enqueue_dma source(%dma_start3A_238 : memref<2048xi32, #tpu.memory_space<hbm>>) target(%arg5 : memref<2048xi32, #tpu.memory_space<vmem>>) target_semaphore(%run_scoped3A : memref<!tpu.dma_semaphore, #tpu.memory_space<semaphore_mem>>)
      %dma_wait3A_239 = tpu.memref_slice %arg3[%mul3A_2] : memref<65536xi32, #tpu.memory_space<hbm>> -> memref<2048xi32, #tpu.memory_space<hbm>>
      %dma_wait3A_240 = tpu.memref_slice %arg3[%mul3A_2] : memref<65536xi32, #tpu.memory_space<hbm>> -> memref<2048xi32, #tpu.memory_space<hbm>>
      tpu.wait_dma2 semaphore(%run_scoped3A : memref<!tpu.dma_semaphore, #tpu.memory_space<semaphore_mem>>) src(%dma_wait3A_240 : memref<2048xi32, #tpu.memory_space<hbm>>) dst(%arg5 : memref<2048xi32, #tpu.memory_space<vmem>>)
      tpu.yield
    }) : () -> ()
    %rem3A = arith.constant 8 : i32
    %rem3A_3 = arith.remsi %add3A, %rem3A : i32
    %mul3A_4 = arith.constant 1024 : i32
    %mul3A_5 = arith.muli %rem3A_3, %mul3A_4 : i32
    %scan3A = arith.constant 0 : i32
    %scan3A_6 = arith.constant 0 : i32
    %scan3A_7 = arith.constant 128 : i32
    %scan3A_8 = arith.addi %scan3A_6, %scan3A_7 : i32
    %scan3A_9 = arith.constant 1 : i32
    %scan3A_10 = scf.for %scan3A_237 = %scan3A_6 to %scan3A_8 step %scan3A_9 iter_args(%scan3A_238 = %scan3A) -> (i32)  : i32 {
      %mul3A_239 = arith.constant 16 : i32
      %mul3A_240 = arith.muli %scan3A_237, %mul3A_239 : i32
      %get3A = arith.index_cast %mul3A_240 : i32 to index
      %get3A_241 = tpu.vector_load %arg5[%get3A] {strides = array<i32>} : memref<2048xi32, #tpu.memory_space<vmem>>, vector<16xi32>,
      %get3A_242 = vector.shape_cast %get3A_241 : vector<16xi32> to vector<16xi32>
      %add3A_243 = vector.broadcast %mul3A_5 : i32 to vector<16xi32>
      %add3A_244 = arith.addi %get3A_242, %add3A_243 : vector<16xi32>
      %mul3A_245 = arith.constant 16 : i32
      %mul3A_246 = arith.muli %scan3A_237, %mul3A_245 : i32
      %swap3A = arith.index_cast %mul3A_246 : i32 to index
      %swap3A_247 = tpu.vector_load %arg5[%swap3A] {strides = array<i32>} : memref<2048xi32, #tpu.memory_space<vmem>>, vector<16xi32>,
      %swap3A_248 = vector.shape_cast %swap3A_247 : vector<16xi32> to vector<16xi32>
      %swap3A_249 = vector.shape_cast %add3A_244 : vector<16xi32> to vector<16xi32>
      tpu.vector_store %arg5[%swap3A], %swap3A_249 {strides = array<i32>} : memref<2048xi32, #tpu.memory_space<vmem>>, vector<16xi32>,
      %scan3A_250 = arith.constant 0 : i32
      scf.yield %scan3A_250 : i32
    }
    %scan3A_11 = arith.constant 128 : i32
    %dma_start3A = arith.constant 0 : i32
    %dma_start3A_12 = tpu.memref_slice %arg5[%dma_start3A] : memref<2048xi32, #tpu.memory_space<vmem>> -> memref<8xi32, #tpu.memory_space<vmem>>
    %dma_start3A_13 = arith.constant 0 : i32
    %dma_start3A_14 = arith.constant 0 : i32
    %dma_start3A_15 = tpu.memref_slice %arg2[%dma_start3A_13, %dma_start3A_14] : memref<8192x1024xf32, #tpu.memory_space<hbm>> -> memref<8192x1024xf32, #tpu.memory_space<hbm>>
    tpu.enqueue_indirect_dma source(%dma_start3A_15 : memref<8192x1024xf32, #tpu.memory_space<hbm>>) target(%arg6 : memref<8x1024xf32, #tpu.memory_space<vmem>>) offsets(%dma_start3A_12 : memref<8xi32, #tpu.memory_space<vmem>>) semaphore(%arg14 : memref<!tpu.dma_semaphore, #tpu.memory_space<semaphore_mem>>)
    %dma_start3A_16 = arith.constant 8 : i32
    %dma_start3A_17 = tpu.memref_slice %arg5[%dma_start3A_16] : memref<2048xi32, #tpu.memory_space<vmem>> -> memref<8xi32, #tpu.memory_space<vmem>>
    %dma_start3A_18 = arith.constant 0 : i32
    %dma_start3A_19 = arith.constant 0 : i32
    %dma_start3A_20 = tpu.memref_slice %arg2[%dma_start3A_18, %dma_start3A_19] : memref<8192x1024xf32, #tpu.memory_space<hbm>> -> memref<8192x1024xf32, #tpu.memory_space<hbm>>
    tpu.enqueue_indirect_dma source(%dma_start3A_20 : memref<8192x1024xf32, #tpu.memory_space<hbm>>) target(%arg7 : memref<8x1024xf32, #tpu.memory_space<vmem>>) offsets(%dma_start3A_17 : memref<8xi32, #tpu.memory_space<vmem>>) semaphore(%arg15 : memref<!tpu.dma_semaphore, #tpu.memory_space<semaphore_mem>>)
    %dma_start3A_21 = arith.constant 16 : i32
    %dma_start3A_22 = tpu.memref_slice %arg5[%dma_start3A_21] : memref<2048xi32, #tpu.memory_space<vmem>> -> memref<8xi32, #tpu.memory_space<vmem>>
    %dma_start3A_23 = arith.constant 0 : i32
    %dma_start3A_24 = arith.constant 0 : i32
    %dma_start3A_25 = tpu.memref_slice %arg2[%dma_start3A_23, %dma_start3A_24] : memref<8192x1024xf32, #tpu.memory_space<hbm>> -> memref<8192x1024xf32, #tpu.memory_space<hbm>>
    tpu.enqueue_indirect_dma source(%dma_start3A_25 : memref<8192x1024xf32, #tpu.memory_space<hbm>>) target(%arg8 : memref<8x1024xf32, #tpu.memory_space<vmem>>) offsets(%dma_start3A_22 : memref<8xi32, #tpu.memory_space<vmem>>) semaphore(%arg16 : memref<!tpu.dma_semaphore, #tpu.memory_space<semaphore_mem>>)
    %dma_start3A_26 = arith.constant 24 : i32
    %dma_start3A_27 = tpu.memref_slice %arg5[%dma_start3A_26] : memref<2048xi32, #tpu.memory_space<vmem>> -> memref<8xi32, #tpu.memory_space<vmem>>
    %dma_start3A_28 = arith.constant 0 : i32
    %dma_start3A_29 = arith.constant 0 : i32
    %dma_start3A_30 = tpu.memref_slice %arg2[%dma_start3A_28, %dma_start3A_29] : memref<8192x1024xf32, #tpu.memory_space<hbm>> -> memref<8192x1024xf32, #tpu.memory_space<hbm>>
    tpu.enqueue_indirect_dma source(%dma_start3A_30 : memref<8192x1024xf32, #tpu.memory_space<hbm>>) target(%arg9 : memref<8x1024xf32, #tpu.memory_space<vmem>>) offsets(%dma_start3A_27 : memref<8xi32, #tpu.memory_space<vmem>>) semaphore(%arg17 : memref<!tpu.dma_semaphore, #tpu.memory_space<semaphore_mem>>)
    %dma_start3A_31 = arith.constant 32 : i32
    %dma_start3A_32 = tpu.memref_slice %arg5[%dma_start3A_31] : memref<2048xi32, #tpu.memory_space<vmem>> -> memref<8xi32, #tpu.memory_space<vmem>>
    %dma_start3A_33 = arith.constant 0 : i32
    %dma_start3A_34 = arith.constant 0 : i32
    %dma_start3A_35 = tpu.memref_slice %arg2[%dma_start3A_33, %dma_start3A_34] : memref<8192x1024xf32, #tpu.memory_space<hbm>> -> memref<8192x1024xf32, #tpu.memory_space<hbm>>
    tpu.enqueue_indirect_dma source(%dma_start3A_35 : memref<8192x1024xf32, #tpu.memory_space<hbm>>) target(%arg10 : memref<8x1024xf32, #tpu.memory_space<vmem>>) offsets(%dma_start3A_32 : memref<8xi32, #tpu.memory_space<vmem>>) semaphore(%arg18 : memref<!tpu.dma_semaphore, #tpu.memory_space<semaphore_mem>>)
    %dma_start3A_36 = arith.constant 40 : i32
    %dma_start3A_37 = tpu.memref_slice %arg5[%dma_start3A_36] : memref<2048xi32, #tpu.memory_space<vmem>> -> memref<8xi32, #tpu.memory_space<vmem>>
    %dma_start3A_38 = arith.constant 0 : i32
    %dma_start3A_39 = arith.constant 0 : i32
    %dma_start3A_40 = tpu.memref_slice %arg2[%dma_start3A_38, %dma_start3A_39] : memref<8192x1024xf32, #tpu.memory_space<hbm>> -> memref<8192x1024xf32, #tpu.memory_space<hbm>>
    tpu.enqueue_indirect_dma source(%dma_start3A_40 : memref<8192x1024xf32, #tpu.memory_space<hbm>>) target(%arg11 : memref<8x1024xf32, #tpu.memory_space<vmem>>) offsets(%dma_start3A_37 : memref<8xi32, #tpu.memory_space<vmem>>) semaphore(%arg19 : memref<!tpu.dma_semaphore, #tpu.memory_space<semaphore_mem>>)
    %dma_start3A_41 = arith.constant 48 : i32
    %dma_start3A_42 = tpu.memref_slice %arg5[%dma_start3A_41] : memref<2048xi32, #tpu.memory_space<vmem>> -> memref<8xi32, #tpu.memory_space<vmem>>
    %dma_start3A_43 = arith.constant 0 : i32
    %dma_start3A_44 = arith.constant 0 : i32
    %dma_start3A_45 = tpu.memref_slice %arg2[%dma_start3A_43, %dma_start3A_44] : memref<8192x1024xf32, #tpu.memory_space<hbm>> -> memref<8192x1024xf32, #tpu.memory_space<hbm>>
    tpu.enqueue_indirect_dma source(%dma_start3A_45 : memref<8192x1024xf32, #tpu.memory_space<hbm>>) target(%arg12 : memref<8x1024xf32, #tpu.memory_space<vmem>>) offsets(%dma_start3A_42 : memref<8xi32, #tpu.memory_space<vmem>>) semaphore(%arg20 : memref<!tpu.dma_semaphore, #tpu.memory_space<semaphore_mem>>)
    %dma_start3A_46 = arith.constant 56 : i32
    %dma_start3A_47 = tpu.memref_slice %arg5[%dma_start3A_46] : memref<2048xi32, #tpu.memory_space<vmem>> -> memref<8xi32, #tpu.memory_space<vmem>>
    %dma_start3A_48 = arith.constant 0 : i32
    %dma_start3A_49 = arith.constant 0 : i32
    %dma_start3A_50 = tpu.memref_slice %arg2[%dma_start3A_48, %dma_start3A_49] : memref<8192x1024xf32, #tpu.memory_space<hbm>> -> memref<8192x1024xf32, #tpu.memory_space<hbm>>
    tpu.enqueue_indirect_dma source(%dma_start3A_50 : memref<8192x1024xf32, #tpu.memory_space<hbm>>) target(%arg13 : memref<8x1024xf32, #tpu.memory_space<vmem>>) offsets(%dma_start3A_47 : memref<8xi32, #tpu.memory_space<vmem>>) semaphore(%arg21 : memref<!tpu.dma_semaphore, #tpu.memory_space<semaphore_mem>>)
    %dma_wait3A = arith.constant 0 : i32
    %dma_wait3A_51 = tpu.memref_slice %arg5[%dma_wait3A] : memref<2048xi32, #tpu.memory_space<vmem>> -> memref<8xi32, #tpu.memory_space<vmem>>
    %dma_wait3A_52 = arith.constant 0 : i32
    %dma_wait3A_53 = arith.constant 0 : i32
    %dma_wait3A_54 = tpu.memref_slice %arg2[%dma_wait3A_52, %dma_wait3A_53] : memref<8192x1024xf32, #tpu.memory_space<hbm>> -> memref<8192x1024xf32, #tpu.memory_space<hbm>>
    tpu.wait_indirect_dma semaphore(%arg14 : memref<!tpu.dma_semaphore, #tpu.memory_space<semaphore_mem>>) src(%dma_wait3A_54 : memref<8192x1024xf32, #tpu.memory_space<hbm>>) dst(%arg6 : memref<8x1024xf32, #tpu.memory_space<vmem>>)
    %add3A_55 = arith.constant 0 : i32
    %add3A_56 = arith.addi %mul3A_2, %add3A_55 : i32
    %dma_start3A_57 = arith.constant 0 : i32
    %dma_start3A_58 = tpu.memref_slice %arg4[%add3A_56, %dma_start3A_57] : memref<65536x1024xf32, #tpu.memory_space<hbm>> -> memref<8x1024xf32, #tpu.memory_space<hbm>>
    %dma_start3A_59 = arith.constant 0 : i32
    %dma_start3A_60 = tpu.memref_slice %arg4[%add3A_56, %dma_start3A_59] : memref<65536x1024xf32, #tpu.memory_space<hbm>> -> memref<8x1024xf32, #tpu.memory_space<hbm>>
    tpu.enqueue_dma source(%arg6 : memref<8x1024xf32, #tpu.memory_space<vmem>>) target(%dma_start3A_60 : memref<8x1024xf32, #tpu.memory_space<hbm>>) target_semaphore(%arg22 : memref<!tpu.dma_semaphore, #tpu.memory_space<semaphore_mem>>)
    %dma_wait3A_61 = arith.constant 8 : i32
    %dma_wait3A_62 = tpu.memref_slice %arg5[%dma_wait3A_61] : memref<2048xi32, #tpu.memory_space<vmem>> -> memref<8xi32, #tpu.memory_space<vmem>>
    %dma_wait3A_63 = arith.constant 0 : i32
    %dma_wait3A_64 = arith.constant 0 : i32
    %dma_wait3A_65 = tpu.memref_slice %arg2[%dma_wait3A_63, %dma_wait3A_64] : memref<8192x1024xf32, #tpu.memory_space<hbm>> -> memref<8192x1024xf32, #tpu.memory_space<hbm>>
    tpu.wait_indirect_dma semaphore(%arg15 : memref<!tpu.dma_semaphore, #tpu.memory_space<semaphore_mem>>) src(%dma_wait3A_65 : memref<8192x1024xf32, #tpu.memory_space<hbm>>) dst(%arg7 : memref<8x1024xf32, #tpu.memory_space<vmem>>)
    %add3A_66 = arith.constant 8 : i32
    %add3A_67 = arith.addi %mul3A_2, %add3A_66 : i32
    %dma_start3A_68 = arith.constant 0 : i32
    %dma_start3A_69 = tpu.memref_slice %arg4[%add3A_67, %dma_start3A_68] : memref<65536x1024xf32, #tpu.memory_space<hbm>> -> memref<8x1024xf32, #tpu.memory_space<hbm>>
    %dma_start3A_70 = arith.constant 0 : i32
    %dma_start3A_71 = tpu.memref_slice %arg4[%add3A_67, %dma_start3A_70] : memref<65536x1024xf32, #tpu.memory_space<hbm>> -> memref<8x1024xf32, #tpu.memory_space<hbm>>
    tpu.enqueue_dma source(%arg7 : memref<8x1024xf32, #tpu.memory_space<vmem>>) target(%dma_start3A_71 : memref<8x1024xf32, #tpu.memory_space<hbm>>) target_semaphore(%arg23 : memref<!tpu.dma_semaphore, #tpu.memory_space<semaphore_mem>>)
    %dma_wait3A_72 = arith.constant 16 : i32
    %dma_wait3A_73 = tpu.memref_slice %arg5[%dma_wait3A_72] : memref<2048xi32, #tpu.memory_space<vmem>> -> memref<8xi32, #tpu.memory_space<vmem>>
    %dma_wait3A_74 = arith.constant 0 : i32
    %dma_wait3A_75 = arith.constant 0 : i32
    %dma_wait3A_76 = tpu.memref_slice %arg2[%dma_wait3A_74, %dma_wait3A_75] : memref<8192x1024xf32, #tpu.memory_space<hbm>> -> memref<8192x1024xf32, #tpu.memory_space<hbm>>
    tpu.wait_indirect_dma semaphore(%arg16 : memref<!tpu.dma_semaphore, #tpu.memory_space<semaphore_mem>>) src(%dma_wait3A_76 : memref<8192x1024xf32, #tpu.memory_space<hbm>>) dst(%arg8 : memref<8x1024xf32, #tpu.memory_space<vmem>>)
    %add3A_77 = arith.constant 16 : i32
    %add3A_78 = arith.addi %mul3A_2, %add3A_77 : i32
    %dma_start3A_79 = arith.constant 0 : i32
    %dma_start3A_80 = tpu.memref_slice %arg4[%add3A_78, %dma_start3A_79] : memref<65536x1024xf32, #tpu.memory_space<hbm>> -> memref<8x1024xf32, #tpu.memory_space<hbm>>
    %dma_start3A_81 = arith.constant 0 : i32
    %dma_start3A_82 = tpu.memref_slice %arg4[%add3A_78, %dma_start3A_81] : memref<65536x1024xf32, #tpu.memory_space<hbm>> -> memref<8x1024xf32, #tpu.memory_space<hbm>>
    tpu.enqueue_dma source(%arg8 : memref<8x1024xf32, #tpu.memory_space<vmem>>) target(%dma_start3A_82 : memref<8x1024xf32, #tpu.memory_space<hbm>>) target_semaphore(%arg24 : memref<!tpu.dma_semaphore, #tpu.memory_space<semaphore_mem>>)
    %dma_wait3A_83 = arith.constant 24 : i32
    %dma_wait3A_84 = tpu.memref_slice %arg5[%dma_wait3A_83] : memref<2048xi32, #tpu.memory_space<vmem>> -> memref<8xi32, #tpu.memory_space<vmem>>
    %dma_wait3A_85 = arith.constant 0 : i32
    %dma_wait3A_86 = arith.constant 0 : i32
    %dma_wait3A_87 = tpu.memref_slice %arg2[%dma_wait3A_85, %dma_wait3A_86] : memref<8192x1024xf32, #tpu.memory_space<hbm>> -> memref<8192x1024xf32, #tpu.memory_space<hbm>>
    tpu.wait_indirect_dma semaphore(%arg17 : memref<!tpu.dma_semaphore, #tpu.memory_space<semaphore_mem>>) src(%dma_wait3A_87 : memref<8192x1024xf32, #tpu.memory_space<hbm>>) dst(%arg9 : memref<8x1024xf32, #tpu.memory_space<vmem>>)
    %add3A_88 = arith.constant 24 : i32
    %add3A_89 = arith.addi %mul3A_2, %add3A_88 : i32
    %dma_start3A_90 = arith.constant 0 : i32
    %dma_start3A_91 = tpu.memref_slice %arg4[%add3A_89, %dma_start3A_90] : memref<65536x1024xf32, #tpu.memory_space<hbm>> -> memref<8x1024xf32, #tpu.memory_space<hbm>>
    %dma_start3A_92 = arith.constant 0 : i32
    %dma_start3A_93 = tpu.memref_slice %arg4[%add3A_89, %dma_start3A_92] : memref<65536x1024xf32, #tpu.memory_space<hbm>> -> memref<8x1024xf32, #tpu.memory_space<hbm>>
    tpu.enqueue_dma source(%arg9 : memref<8x1024xf32, #tpu.memory_space<vmem>>) target(%dma_start3A_93 : memref<8x1024xf32, #tpu.memory_space<hbm>>) target_semaphore(%arg25 : memref<!tpu.dma_semaphore, #tpu.memory_space<semaphore_mem>>)
    %dma_wait3A_94 = arith.constant 32 : i32
    %dma_wait3A_95 = tpu.memref_slice %arg5[%dma_wait3A_94] : memref<2048xi32, #tpu.memory_space<vmem>> -> memref<8xi32, #tpu.memory_space<vmem>>
    %dma_wait3A_96 = arith.constant 0 : i32
    %dma_wait3A_97 = arith.constant 0 : i32
    %dma_wait3A_98 = tpu.memref_slice %arg2[%dma_wait3A_96, %dma_wait3A_97] : memref<8192x1024xf32, #tpu.memory_space<hbm>> -> memref<8192x1024xf32, #tpu.memory_space<hbm>>
    tpu.wait_indirect_dma semaphore(%arg18 : memref<!tpu.dma_semaphore, #tpu.memory_space<semaphore_mem>>) src(%dma_wait3A_98 : memref<8192x1024xf32, #tpu.memory_space<hbm>>) dst(%arg10 : memref<8x1024xf32, #tpu.memory_space<vmem>>)
    %add3A_99 = arith.constant 32 : i32
    %add3A_100 = arith.addi %mul3A_2, %add3A_99 : i32
    %dma_start3A_101 = arith.constant 0 : i32
    %dma_start3A_102 = tpu.memref_slice %arg4[%add3A_100, %dma_start3A_101] : memref<65536x1024xf32, #tpu.memory_space<hbm>> -> memref<8x1024xf32, #tpu.memory_space<hbm>>
    %dma_start3A_103 = arith.constant 0 : i32
    %dma_start3A_104 = tpu.memref_slice %arg4[%add3A_100, %dma_start3A_103] : memref<65536x1024xf32, #tpu.memory_space<hbm>> -> memref<8x1024xf32, #tpu.memory_space<hbm>>
    tpu.enqueue_dma source(%arg10 : memref<8x1024xf32, #tpu.memory_space<vmem>>) target(%dma_start3A_104 : memref<8x1024xf32, #tpu.memory_space<hbm>>) target_semaphore(%arg26 : memref<!tpu.dma_semaphore, #tpu.memory_space<semaphore_mem>>)
    %add3A_105 = arith.constant 0 : i32
    %add3A_106 = arith.addi %mul3A_2, %add3A_105 : i32
    %dma_wait3A_107 = arith.constant 0 : i32
    %dma_wait3A_108 = tpu.memref_slice %arg4[%add3A_106, %dma_wait3A_107] : memref<65536x1024xf32, #tpu.memory_space<hbm>> -> memref<8x1024xf32, #tpu.memory_space<hbm>>
    %dma_wait3A_109 = arith.constant 0 : i32
    %dma_wait3A_110 = tpu.memref_slice %arg4[%add3A_106, %dma_wait3A_109] : memref<65536x1024xf32, #tpu.memory_space<hbm>> -> memref<8x1024xf32, #tpu.memory_space<hbm>>
    tpu.wait_dma2 semaphore(%arg22 : memref<!tpu.dma_semaphore, #tpu.memory_space<semaphore_mem>>) src(%arg6 : memref<8x1024xf32, #tpu.memory_space<vmem>>) dst(%dma_wait3A_110 : memref<8x1024xf32, #tpu.memory_space<hbm>>)
    %dma_start3A_111 = arith.constant 64 : i32
    %dma_start3A_112 = tpu.memref_slice %arg5[%dma_start3A_111] : memref<2048xi32, #tpu.memory_space<vmem>> -> memref<8xi32, #tpu.memory_space<vmem>>
    %dma_start3A_113 = arith.constant 0 : i32
    %dma_start3A_114 = arith.constant 0 : i32
    %dma_start3A_115 = tpu.memref_slice %arg2[%dma_start3A_113, %dma_start3A_114] : memref<8192x1024xf32, #tpu.memory_space<hbm>> -> memref<8192x1024xf32, #tpu.memory_space<hbm>>
    tpu.enqueue_indirect_dma source(%dma_start3A_115 : memref<8192x1024xf32, #tpu.memory_space<hbm>>) target(%arg6 : memref<8x1024xf32, #tpu.memory_space<vmem>>) offsets(%dma_start3A_112 : memref<8xi32, #tpu.memory_space<vmem>>) semaphore(%arg14 : memref<!tpu.dma_semaphore, #tpu.memory_space<semaphore_mem>>)
    %dma_wait3A_116 = arith.constant 40 : i32
    %dma_wait3A_117 = tpu.memref_slice %arg5[%dma_wait3A_116] : memref<2048xi32, #tpu.memory_space<vmem>> -> memref<8xi32, #tpu.memory_space<vmem>>
    %dma_wait3A_118 = arith.constant 0 : i32
    %dma_wait3A_119 = arith.constant 0 : i32
    %dma_wait3A_120 = tpu.memref_slice %arg2[%dma_wait3A_118, %dma_wait3A_119] : memref<8192x1024xf32, #tpu.memory_space<hbm>> -> memref<8192x1024xf32, #tpu.memory_space<hbm>>
    tpu.wait_indirect_dma semaphore(%arg19 : memref<!tpu.dma_semaphore, #tpu.memory_space<semaphore_mem>>) src(%dma_wait3A_120 : memref<8192x1024xf32, #tpu.memory_space<hbm>>) dst(%arg11 : memref<8x1024xf32, #tpu.memory_space<vmem>>)
    %add3A_121 = arith.constant 40 : i32
    %add3A_122 = arith.addi %mul3A_2, %add3A_121 : i32
    %dma_start3A_123 = arith.constant 0 : i32
    %dma_start3A_124 = tpu.memref_slice %arg4[%add3A_122, %dma_start3A_123] : memref<65536x1024xf32, #tpu.memory_space<hbm>> -> memref<8x1024xf32, #tpu.memory_space<hbm>>
    %dma_start3A_125 = arith.constant 0 : i32
    %dma_start3A_126 = tpu.memref_slice %arg4[%add3A_122, %dma_start3A_125] : memref<65536x1024xf32, #tpu.memory_space<hbm>> -> memref<8x1024xf32, #tpu.memory_space<hbm>>
    tpu.enqueue_dma source(%arg11 : memref<8x1024xf32, #tpu.memory_space<vmem>>) target(%dma_start3A_126 : memref<8x1024xf32, #tpu.memory_space<hbm>>) target_semaphore(%arg27 : memref<!tpu.dma_semaphore, #tpu.memory_space<semaphore_mem>>)
    %add3A_127 = arith.constant 8 : i32
    %add3A_128 = arith.addi %mul3A_2, %add3A_127 : i32
    %dma_wait3A_129 = arith.constant 0 : i32
    %dma_wait3A_130 = tpu.memref_slice %arg4[%add3A_128, %dma_wait3A_129] : memref<65536x1024xf32, #tpu.memory_space<hbm>> -> memref<8x1024xf32, #tpu.memory_space<hbm>>
    %dma_wait3A_131 = arith.constant 0 : i32
    %dma_wait3A_132 = tpu.memref_slice %arg4[%add3A_128, %dma_wait3A_131] : memref<65536x1024xf32, #tpu.memory_space<hbm>> -> memref<8x1024xf32, #tpu.memory_space<hbm>>
    tpu.wait_dma2 semaphore(%arg23 : memref<!tpu.dma_semaphore, #tpu.memory_space<semaphore_mem>>) src(%arg7 : memref<8x1024xf32, #tpu.memory_space<vmem>>) dst(%dma_wait3A_132 : memref<8x1024xf32, #tpu.memory_space<hbm>>)
    %dma_start3A_133 = arith.constant 72 : i32
    %dma_start3A_134 = tpu.memref_slice %arg5[%dma_start3A_133] : memref<2048xi32, #tpu.memory_space<vmem>> -> memref<8xi32, #tpu.memory_space<vmem>>
    %dma_start3A_135 = arith.constant 0 : i32
    %dma_start3A_136 = arith.constant 0 : i32
    %dma_start3A_137 = tpu.memref_slice %arg2[%dma_start3A_135, %dma_start3A_136] : memref<8192x1024xf32, #tpu.memory_space<hbm>> -> memref<8192x1024xf32, #tpu.memory_space<hbm>>
    tpu.enqueue_indirect_dma source(%dma_start3A_137 : memref<8192x1024xf32, #tpu.memory_space<hbm>>) target(%arg7 : memref<8x1024xf32, #tpu.memory_space<vmem>>) offsets(%dma_start3A_134 : memref<8xi32, #tpu.memory_space<vmem>>) semaphore(%arg15 : memref<!tpu.dma_semaphore, #tpu.memory_space<semaphore_mem>>)
    %dma_wait3A_138 = arith.constant 48 : i32
    %dma_wait3A_139 = tpu.memref_slice %arg5[%dma_wait3A_138] : memref<2048xi32, #tpu.memory_space<vmem>> -> memref<8xi32, #tpu.memory_space<vmem>>
    %dma_wait3A_140 = arith.constant 0 : i32
    %dma_wait3A_141 = arith.constant 0 : i32
    %dma_wait3A_142 = tpu.memref_slice %arg2[%dma_wait3A_140, %dma_wait3A_141] : memref<8192x1024xf32, #tpu.memory_space<hbm>> -> memref<8192x1024xf32, #tpu.memory_space<hbm>>
    tpu.wait_indirect_dma semaphore(%arg20 : memref<!tpu.dma_semaphore, #tpu.memory_space<semaphore_mem>>) src(%dma_wait3A_142 : memref<8192x1024xf32, #tpu.memory_space<hbm>>) dst(%arg12 : memref<8x1024xf32, #tpu.memory_space<vmem>>)
    %add3A_143 = arith.constant 48 : i32
    %add3A_144 = arith.addi %mul3A_2, %add3A_143 : i32
    %dma_start3A_145 = arith.constant 0 : i32
    %dma_start3A_146 = tpu.memref_slice %arg4[%add3A_144, %dma_start3A_145] : memref<65536x1024xf32, #tpu.memory_space<hbm>> -> memref<8x1024xf32, #tpu.memory_space<hbm>>
    %dma_start3A_147 = arith.constant 0 : i32
    %dma_start3A_148 = tpu.memref_slice %arg4[%add3A_144, %dma_start3A_147] : memref<65536x1024xf32, #tpu.memory_space<hbm>> -> memref<8x1024xf32, #tpu.memory_space<hbm>>
    tpu.enqueue_dma source(%arg12 : memref<8x1024xf32, #tpu.memory_space<vmem>>) target(%dma_start3A_148 : memref<8x1024xf32, #tpu.memory_space<hbm>>) target_semaphore(%arg28 : memref<!tpu.dma_semaphore, #tpu.memory_space<semaphore_mem>>)
    %add3A_149 = arith.constant 16 : i32
    %add3A_150 = arith.addi %mul3A_2, %add3A_149 : i32
    %dma_wait3A_151 = arith.constant 0 : i32
    %dma_wait3A_152 = tpu.memref_slice %arg4[%add3A_150, %dma_wait3A_151] : memref<65536x1024xf32, #tpu.memory_space<hbm>> -> memref<8x1024xf32, #tpu.memory_space<hbm>>
    %dma_wait3A_153 = arith.constant 0 : i32
    %dma_wait3A_154 = tpu.memref_slice %arg4[%add3A_150, %dma_wait3A_153] : memref<65536x1024xf32, #tpu.memory_space<hbm>> -> memref<8x1024xf32, #tpu.memory_space<hbm>>
    tpu.wait_dma2 semaphore(%arg24 : memref<!tpu.dma_semaphore, #tpu.memory_space<semaphore_mem>>) src(%arg8 : memref<8x1024xf32, #tpu.memory_space<vmem>>) dst(%dma_wait3A_154 : memref<8x1024xf32, #tpu.memory_space<hbm>>)
    %dma_start3A_155 = arith.constant 80 : i32
    %dma_start3A_156 = tpu.memref_slice %arg5[%dma_start3A_155] : memref<2048xi32, #tpu.memory_space<vmem>> -> memref<8xi32, #tpu.memory_space<vmem>>
    %dma_start3A_157 = arith.constant 0 : i32
    %dma_start3A_158 = arith.constant 0 : i32
    %dma_start3A_159 = tpu.memref_slice %arg2[%dma_start3A_157, %dma_start3A_158] : memref<8192x1024xf32, #tpu.memory_space<hbm>> -> memref<8192x1024xf32, #tpu.memory_space<hbm>>
    tpu.enqueue_indirect_dma source(%dma_start3A_159 : memref<8192x1024xf32, #tpu.memory_space<hbm>>) target(%arg8 : memref<8x1024xf32, #tpu.memory_space<vmem>>) offsets(%dma_start3A_156 : memref<8xi32, #tpu.memory_space<vmem>>) semaphore(%arg16 : memref<!tpu.dma_semaphore, #tpu.memory_space<semaphore_mem>>)
    %dma_wait3A_160 = arith.constant 56 : i32
    %dma_wait3A_161 = tpu.memref_slice %arg5[%dma_wait3A_160] : memref<2048xi32, #tpu.memory_space<vmem>> -> memref<8xi32, #tpu.memory_space<vmem>>
    %dma_wait3A_162 = arith.constant 0 : i32
    %dma_wait3A_163 = arith.constant 0 : i32
    %dma_wait3A_164 = tpu.memref_slice %arg2[%dma_wait3A_162, %dma_wait3A_163] : memref<8192x1024xf32, #tpu.memory_space<hbm>> -> memref<8192x1024xf32, #tpu.memory_space<hbm>>
    tpu.wait_indirect_dma semaphore(%arg21 : memref<!tpu.dma_semaphore, #tpu.memory_space<semaphore_mem>>) src(%dma_wait3A_164 : memref<8192x1024xf32, #tpu.memory_space<hbm>>) dst(%arg13 : memref<8x1024xf32, #tpu.memory_space<vmem>>)
    %add3A_165 = arith.constant 56 : i32
    %add3A_166 = arith.addi %mul3A_2, %add3A_165 : i32
    %dma_start3A_167 = arith.constant 0 : i32
    %dma_start3A_168 = tpu.memref_slice %arg4[%add3A_166, %dma_start3A_167] : memref<65536x1024xf32, #tpu.memory_space<hbm>> -> memref<8x1024xf32, #tpu.memory_space<hbm>>
    %dma_start3A_169 = arith.constant 0 : i32
    %dma_start3A_170 = tpu.memref_slice %arg4[%add3A_166, %dma_start3A_169] : memref<65536x1024xf32, #tpu.memory_space<hbm>> -> memref<8x1024xf32, #tpu.memory_space<hbm>>
    tpu.enqueue_dma source(%arg13 : memref<8x1024xf32, #tpu.memory_space<vmem>>) target(%dma_start3A_170 : memref<8x1024xf32, #tpu.memory_space<hbm>>) target_semaphore(%arg29 : memref<!tpu.dma_semaphore, #tpu.memory_space<semaphore_mem>>)
    %add3A_171 = arith.constant 24 : i32
    %add3A_172 = arith.addi %mul3A_2, %add3A_171 : i32
    %dma_wait3A_173 = arith.constant 0 : i32
    %dma_wait3A_174 = tpu.memref_slice %arg4[%add3A_172, %dma_wait3A_173] : memref<65536x1024xf32, #tpu.memory_space<hbm>> -> memref<8x1024xf32, #tpu.memory_space<hbm>>
    %dma_wait3A_175 = arith.constant 0 : i32
    %dma_wait3A_176 = tpu.memref_slice %arg4[%add3A_172, %dma_wait3A_175] : memref<65536x1024xf32, #tpu.memory_space<hbm>> -> memref<8x1024xf32, #tpu.memory_space<hbm>>
    tpu.wait_dma2 semaphore(%arg25 : memref<!tpu.dma_semaphore, #tpu.memory_space<semaphore_mem>>) src(%arg9 : memref<8x1024xf32, #tpu.memory_space<vmem>>) dst(%dma_wait3A_176 : memref<8x1024xf32, #tpu.memory_space<hbm>>)
    %dma_start3A_177 = arith.constant 88 : i32
    %dma_start3A_178 = tpu.memref_slice %arg5[%dma_start3A_177] : memref<2048xi32, #tpu.memory_space<vmem>> -> memref<8xi32, #tpu.memory_space<vmem>>
    %dma_start3A_179 = arith.constant 0 : i32
    %dma_start3A_180 = arith.constant 0 : i32
    %dma_start3A_181 = tpu.memref_slice %arg2[%dma_start3A_179, %dma_start3A_180] : memref<8192x1024xf32, #tpu.memory_space<hbm>> -> memref<8192x1024xf32, #tpu.memory_space<hbm>>
    tpu.enqueue_indirect_dma source(%dma_start3A_181 : memref<8192x1024xf32, #tpu.memory_space<hbm>>) target(%arg9 : memref<8x1024xf32, #tpu.memory_space<vmem>>) offsets(%dma_start3A_178 : memref<8xi32, #tpu.memory_space<vmem>>) semaphore(%arg17 : memref<!tpu.dma_semaphore, #tpu.memory_space<semaphore_mem>>)
    %scan3A_182 = arith.constant 0 : i32
    %scan3A_183 = arith.constant 1 : i32
    %scan3A_184 = arith.constant 31 : i32
    %scan3A_185 = arith.addi %scan3A_183, %scan3A_184 : i32
    %scan3A_186 = arith.constant 1 : i32
    %scan3A_187 = scf.for %scan3A_237 = %scan3A_183 to %scan3A_185 step %scan3A_186 iter_args(%scan3A_238 = %scan3A_182) -> (i32)  : i32 {
      %mul3A_239 = arith.constant 8 : i32
      %mul3A_240 = arith.muli %scan3A_237, %mul3A_239 : i32
      %add3A_241 = arith.constant 0 : i32
      %add3A_242 = arith.addi %mul3A_240, %add3A_241 : i32
      %mul3A_243 = arith.constant 8 : i32
      %mul3A_244 = arith.muli %add3A_242, %mul3A_243 : i32
      %dma_wait3A_245 = tpu.memref_slice %arg5[%mul3A_244] : memref<2048xi32, #tpu.memory_space<vmem>> -> memref<8xi32, #tpu.memory_space<vmem>>
      %dma_wait3A_246 = arith.constant 0 : i32
      %dma_wait3A_247 = arith.constant 0 : i32
      %dma_wait3A_248 = tpu.memref_slice %arg2[%dma_wait3A_246, %dma_wait3A_247] : memref<8192x1024xf32, #tpu.memory_space<hbm>> -> memref<8192x1024xf32, #tpu.memory_space<hbm>>
      tpu.wait_indirect_dma semaphore(%arg14 : memref<!tpu.dma_semaphore, #tpu.memory_space<semaphore_mem>>) src(%dma_wait3A_248 : memref<8192x1024xf32, #tpu.memory_space<hbm>>) dst(%arg6 : memref<8x1024xf32, #tpu.memory_space<vmem>>)
      %mul3A_249 = arith.constant 8 : i32
      %mul3A_250 = arith.muli %add3A_242, %mul3A_249 : i32
      %add3A_251 = arith.addi %mul3A_2, %mul3A_250 : i32
      %dma_start3A_252 = arith.constant 0 : i32
      %dma_start3A_253 = tpu.memref_slice %arg4[%add3A_251, %dma_start3A_252] : memref<65536x1024xf32, #tpu.memory_space<hbm>> -> memref<8x1024xf32, #tpu.memory_space<hbm>>
      %dma_start3A_254 = arith.constant 0 : i32
      %dma_start3A_255 = tpu.memref_slice %arg4[%add3A_251, %dma_start3A_254] : memref<65536x1024xf32, #tpu.memory_space<hbm>> -> memref<8x1024xf32, #tpu.memory_space<hbm>>
      tpu.enqueue_dma source(%arg6 : memref<8x1024xf32, #tpu.memory_space<vmem>>) target(%dma_start3A_255 : memref<8x1024xf32, #tpu.memory_space<hbm>>) target_semaphore(%arg22 : memref<!tpu.dma_semaphore, #tpu.memory_space<semaphore_mem>>)
      %sub3A = arith.constant 4 : i32
      %sub3A_256 = arith.subi %add3A_242, %sub3A : i32
      %add3A_257 = arith.constant 8 : i32
      %add3A_258 = arith.addi %sub3A_256, %add3A_257 : i32
      %lt3A = arith.constant 256 : i32
      %lt3A_259 = arith.cmpi slt, %add3A_258, %lt3A : i32
      %convert_element_type3A = arith.extui %lt3A_259 : i1 to i32
      %cond3A = arith.constant 0 : i32
      %cond3A_260 = arith.cmpi ne, %convert_element_type3A, %cond3A : i32
      scf.if %cond3A_260 {
        %mul3A_444 = arith.constant 8 : i32
        %mul3A_445 = arith.muli %sub3A_256, %mul3A_444 : i32
        %add3A_446 = arith.addi %mul3A_2, %mul3A_445 : i32
        %dma_wait3A_447 = arith.constant 0 : i32
        %dma_wait3A_448 = tpu.memref_slice %arg4[%add3A_446, %dma_wait3A_447] : memref<65536x1024xf32, #tpu.memory_space<hbm>> -> memref<8x1024xf32, #tpu.memory_space<hbm>>
        %dma_wait3A_449 = arith.constant 0 : i32
        %dma_wait3A_450 = tpu.memref_slice %arg4[%add3A_446, %dma_wait3A_449] : memref<65536x1024xf32, #tpu.memory_space<hbm>> -> memref<8x1024xf32, #tpu.memory_space<hbm>>
        tpu.wait_dma2 semaphore(%arg26 : memref<!tpu.dma_semaphore, #tpu.memory_space<semaphore_mem>>) src(%arg10 : memref<8x1024xf32, #tpu.memory_space<vmem>>) dst(%dma_wait3A_450 : memref<8x1024xf32, #tpu.memory_space<hbm>>)
        %add3A_451 = arith.constant 8 : i32
        %add3A_452 = arith.addi %sub3A_256, %add3A_451 : i32
        %mul3A_453 = arith.constant 8 : i32
        %mul3A_454 = arith.muli %add3A_452, %mul3A_453 : i32
        %dma_start3A_455 = tpu.memref_slice %arg5[%mul3A_454] : memref<2048xi32, #tpu.memory_space<vmem>> -> memref<8xi32, #tpu.memory_space<vmem>>
        %dma_start3A_456 = arith.constant 0 : i32
        %dma_start3A_457 = arith.constant 0 : i32
        %dma_start3A_458 = tpu.memref_slice %arg2[%dma_start3A_456, %dma_start3A_457] : memref<8192x1024xf32, #tpu.memory_space<hbm>> -> memref<8192x1024xf32, #tpu.memory_space<hbm>>
        tpu.enqueue_indirect_dma source(%dma_start3A_458 : memref<8192x1024xf32, #tpu.memory_space<hbm>>) target(%arg10 : memref<8x1024xf32, #tpu.memory_space<vmem>>) offsets(%dma_start3A_455 : memref<8xi32, #tpu.memory_space<vmem>>) semaphore(%arg18 : memref<!tpu.dma_semaphore, #tpu.memory_space<semaphore_mem>>)
      } else {
      }
      %mul3A_261 = arith.constant 8 : i32
      %mul3A_262 = arith.muli %scan3A_237, %mul3A_261 : i32
      %add3A_263 = arith.constant 1 : i32
      %add3A_264 = arith.addi %mul3A_262, %add3A_263 : i32
      %mul3A_265 = arith.constant 8 : i32
      %mul3A_266 = arith.muli %add3A_264, %mul3A_265 : i32
      %dma_wait3A_267 = tpu.memref_slice %arg5[%mul3A_266] : memref<2048xi32, #tpu.memory_space<vmem>> -> memref<8xi32, #tpu.memory_space<vmem>>
      %dma_wait3A_268 = arith.constant 0 : i32
      %dma_wait3A_269 = arith.constant 0 : i32
      %dma_wait3A_270 = tpu.memref_slice %arg2[%dma_wait3A_268, %dma_wait3A_269] : memref<8192x1024xf32, #tpu.memory_space<hbm>> -> memref<8192x1024xf32, #tpu.memory_space<hbm>>
      tpu.wait_indirect_dma semaphore(%arg15 : memref<!tpu.dma_semaphore, #tpu.memory_space<semaphore_mem>>) src(%dma_wait3A_270 : memref<8192x1024xf32, #tpu.memory_space<hbm>>) dst(%arg7 : memref<8x1024xf32, #tpu.memory_space<vmem>>)
      %mul3A_271 = arith.constant 8 : i32
      %mul3A_272 = arith.muli %add3A_264, %mul3A_271 : i32
      %add3A_273 = arith.addi %mul3A_2, %mul3A_272 : i32
      %dma_start3A_274 = arith.constant 0 : i32
      %dma_start3A_275 = tpu.memref_slice %arg4[%add3A_273, %dma_start3A_274] : memref<65536x1024xf32, #tpu.memory_space<hbm>> -> memref<8x1024xf32, #tpu.memory_space<hbm>>
      %dma_start3A_276 = arith.constant 0 : i32
      %dma_start3A_277 = tpu.memref_slice %arg4[%add3A_273, %dma_start3A_276] : memref<65536x1024xf32, #tpu.memory_space<hbm>> -> memref<8x1024xf32, #tpu.memory_space<hbm>>
      tpu.enqueue_dma source(%arg7 : memref<8x1024xf32, #tpu.memory_space<vmem>>) target(%dma_start3A_277 : memref<8x1024xf32, #tpu.memory_space<hbm>>) target_semaphore(%arg23 : memref<!tpu.dma_semaphore, #tpu.memory_space<semaphore_mem>>)
      %sub3A_278 = arith.constant 4 : i32
      %sub3A_279 = arith.subi %add3A_264, %sub3A_278 : i32
      %add3A_280 = arith.constant 8 : i32
      %add3A_281 = arith.addi %sub3A_279, %add3A_280 : i32
      %lt3A_282 = arith.constant 256 : i32
      %lt3A_283 = arith.cmpi slt, %add3A_281, %lt3A_282 : i32
      %convert_element_type3A_284 = arith.extui %lt3A_283 : i1 to i32
      %cond3A_285 = arith.constant 0 : i32
      %cond3A_286 = arith.cmpi ne, %convert_element_type3A_284, %cond3A_285 : i32
      scf.if %cond3A_286 {
        %mul3A_444 = arith.constant 8 : i32
        %mul3A_445 = arith.muli %sub3A_279, %mul3A_444 : i32
        %add3A_446 = arith.addi %mul3A_2, %mul3A_445 : i32
        %dma_wait3A_447 = arith.constant 0 : i32
        %dma_wait3A_448 = tpu.memref_slice %arg4[%add3A_446, %dma_wait3A_447] : memref<65536x1024xf32, #tpu.memory_space<hbm>> -> memref<8x1024xf32, #tpu.memory_space<hbm>>
        %dma_wait3A_449 = arith.constant 0 : i32
        %dma_wait3A_450 = tpu.memref_slice %arg4[%add3A_446, %dma_wait3A_449] : memref<65536x1024xf32, #tpu.memory_space<hbm>> -> memref<8x1024xf32, #tpu.memory_space<hbm>>
        tpu.wait_dma2 semaphore(%arg27 : memref<!tpu.dma_semaphore, #tpu.memory_space<semaphore_mem>>) src(%arg11 : memref<8x1024xf32, #tpu.memory_space<vmem>>) dst(%dma_wait3A_450 : memref<8x1024xf32, #tpu.memory_space<hbm>>)
        %add3A_451 = arith.constant 8 : i32
        %add3A_452 = arith.addi %sub3A_279, %add3A_451 : i32
        %mul3A_453 = arith.constant 8 : i32
        %mul3A_454 = arith.muli %add3A_452, %mul3A_453 : i32
        %dma_start3A_455 = tpu.memref_slice %arg5[%mul3A_454] : memref<2048xi32, #tpu.memory_space<vmem>> -> memref<8xi32, #tpu.memory_space<vmem>>
        %dma_start3A_456 = arith.constant 0 : i32
        %dma_start3A_457 = arith.constant 0 : i32
        %dma_start3A_458 = tpu.memref_slice %arg2[%dma_start3A_456, %dma_start3A_457] : memref<8192x1024xf32, #tpu.memory_space<hbm>> -> memref<8192x1024xf32, #tpu.memory_space<hbm>>
        tpu.enqueue_indirect_dma source(%dma_start3A_458 : memref<8192x1024xf32, #tpu.memory_space<hbm>>) target(%arg11 : memref<8x1024xf32, #tpu.memory_space<vmem>>) offsets(%dma_start3A_455 : memref<8xi32, #tpu.memory_space<vmem>>) semaphore(%arg19 : memref<!tpu.dma_semaphore, #tpu.memory_space<semaphore_mem>>)
      } else {
      }
      %mul3A_287 = arith.constant 8 : i32
      %mul3A_288 = arith.muli %scan3A_237, %mul3A_287 : i32
      %add3A_289 = arith.constant 2 : i32
      %add3A_290 = arith.addi %mul3A_288, %add3A_289 : i32
      %mul3A_291 = arith.constant 8 : i32
      %mul3A_292 = arith.muli %add3A_290, %mul3A_291 : i32
      %dma_wait3A_293 = tpu.memref_slice %arg5[%mul3A_292] : memref<2048xi32, #tpu.memory_space<vmem>> -> memref<8xi32, #tpu.memory_space<vmem>>
      %dma_wait3A_294 = arith.constant 0 : i32
      %dma_wait3A_295 = arith.constant 0 : i32
      %dma_wait3A_296 = tpu.memref_slice %arg2[%dma_wait3A_294, %dma_wait3A_295] : memref<8192x1024xf32, #tpu.memory_space<hbm>> -> memref<8192x1024xf32, #tpu.memory_space<hbm>>
      tpu.wait_indirect_dma semaphore(%arg16 : memref<!tpu.dma_semaphore, #tpu.memory_space<semaphore_mem>>) src(%dma_wait3A_296 : memref<8192x1024xf32, #tpu.memory_space<hbm>>) dst(%arg8 : memref<8x1024xf32, #tpu.memory_space<vmem>>)
      %mul3A_297 = arith.constant 8 : i32
      %mul3A_298 = arith.muli %add3A_290, %mul3A_297 : i32
      %add3A_299 = arith.addi %mul3A_2, %mul3A_298 : i32
      %dma_start3A_300 = arith.constant 0 : i32
      %dma_start3A_301 = tpu.memref_slice %arg4[%add3A_299, %dma_start3A_300] : memref<65536x1024xf32, #tpu.memory_space<hbm>> -> memref<8x1024xf32, #tpu.memory_space<hbm>>
      %dma_start3A_302 = arith.constant 0 : i32
      %dma_start3A_303 = tpu.memref_slice %arg4[%add3A_299, %dma_start3A_302] : memref<65536x1024xf32, #tpu.memory_space<hbm>> -> memref<8x1024xf32, #tpu.memory_space<hbm>>
      tpu.enqueue_dma source(%arg8 : memref<8x1024xf32, #tpu.memory_space<vmem>>) target(%dma_start3A_303 : memref<8x1024xf32, #tpu.memory_space<hbm>>) target_semaphore(%arg24 : memref<!tpu.dma_semaphore, #tpu.memory_space<semaphore_mem>>)
      %sub3A_304 = arith.constant 4 : i32
      %sub3A_305 = arith.subi %add3A_290, %sub3A_304 : i32
      %add3A_306 = arith.constant 8 : i32
      %add3A_307 = arith.addi %sub3A_305, %add3A_306 : i32
      %lt3A_308 = arith.constant 256 : i32
      %lt3A_309 = arith.cmpi slt, %add3A_307, %lt3A_308 : i32
      %convert_element_type3A_310 = arith.extui %lt3A_309 : i1 to i32
      %cond3A_311 = arith.constant 0 : i32
      %cond3A_312 = arith.cmpi ne, %convert_element_type3A_310, %cond3A_311 : i32
      scf.if %cond3A_312 {
        %mul3A_444 = arith.constant 8 : i32
        %mul3A_445 = arith.muli %sub3A_305, %mul3A_444 : i32
        %add3A_446 = arith.addi %mul3A_2, %mul3A_445 : i32
        %dma_wait3A_447 = arith.constant 0 : i32
        %dma_wait3A_448 = tpu.memref_slice %arg4[%add3A_446, %dma_wait3A_447] : memref<65536x1024xf32, #tpu.memory_space<hbm>> -> memref<8x1024xf32, #tpu.memory_space<hbm>>
        %dma_wait3A_449 = arith.constant 0 : i32
        %dma_wait3A_450 = tpu.memref_slice %arg4[%add3A_446, %dma_wait3A_449] : memref<65536x1024xf32, #tpu.memory_space<hbm>> -> memref<8x1024xf32, #tpu.memory_space<hbm>>
        tpu.wait_dma2 semaphore(%arg28 : memref<!tpu.dma_semaphore, #tpu.memory_space<semaphore_mem>>) src(%arg12 : memref<8x1024xf32, #tpu.memory_space<vmem>>) dst(%dma_wait3A_450 : memref<8x1024xf32, #tpu.memory_space<hbm>>)
        %add3A_451 = arith.constant 8 : i32
        %add3A_452 = arith.addi %sub3A_305, %add3A_451 : i32
        %mul3A_453 = arith.constant 8 : i32
        %mul3A_454 = arith.muli %add3A_452, %mul3A_453 : i32
        %dma_start3A_455 = tpu.memref_slice %arg5[%mul3A_454] : memref<2048xi32, #tpu.memory_space<vmem>> -> memref<8xi32, #tpu.memory_space<vmem>>
        %dma_start3A_456 = arith.constant 0 : i32
        %dma_start3A_457 = arith.constant 0 : i32
        %dma_start3A_458 = tpu.memref_slice %arg2[%dma_start3A_456, %dma_start3A_457] : memref<8192x1024xf32, #tpu.memory_space<hbm>> -> memref<8192x1024xf32, #tpu.memory_space<hbm>>
        tpu.enqueue_indirect_dma source(%dma_start3A_458 : memref<8192x1024xf32, #tpu.memory_space<hbm>>) target(%arg12 : memref<8x1024xf32, #tpu.memory_space<vmem>>) offsets(%dma_start3A_455 : memref<8xi32, #tpu.memory_space<vmem>>) semaphore(%arg20 : memref<!tpu.dma_semaphore, #tpu.memory_space<semaphore_mem>>)
      } else {
      }
      %mul3A_313 = arith.constant 8 : i32
      %mul3A_314 = arith.muli %scan3A_237, %mul3A_313 : i32
      %add3A_315 = arith.constant 3 : i32
      %add3A_316 = arith.addi %mul3A_314, %add3A_315 : i32
      %mul3A_317 = arith.constant 8 : i32
      %mul3A_318 = arith.muli %add3A_316, %mul3A_317 : i32
      %dma_wait3A_319 = tpu.memref_slice %arg5[%mul3A_318] : memref<2048xi32, #tpu.memory_space<vmem>> -> memref<8xi32, #tpu.memory_space<vmem>>
      %dma_wait3A_320 = arith.constant 0 : i32
      %dma_wait3A_321 = arith.constant 0 : i32
      %dma_wait3A_322 = tpu.memref_slice %arg2[%dma_wait3A_320, %dma_wait3A_321] : memref<8192x1024xf32, #tpu.memory_space<hbm>> -> memref<8192x1024xf32, #tpu.memory_space<hbm>>
      tpu.wait_indirect_dma semaphore(%arg17 : memref<!tpu.dma_semaphore, #tpu.memory_space<semaphore_mem>>) src(%dma_wait3A_322 : memref<8192x1024xf32, #tpu.memory_space<hbm>>) dst(%arg9 : memref<8x1024xf32, #tpu.memory_space<vmem>>)
      %mul3A_323 = arith.constant 8 : i32
      %mul3A_324 = arith.muli %add3A_316, %mul3A_323 : i32
      %add3A_325 = arith.addi %mul3A_2, %mul3A_324 : i32
      %dma_start3A_326 = arith.constant 0 : i32
      %dma_start3A_327 = tpu.memref_slice %arg4[%add3A_325, %dma_start3A_326] : memref<65536x1024xf32, #tpu.memory_space<hbm>> -> memref<8x1024xf32, #tpu.memory_space<hbm>>
      %dma_start3A_328 = arith.constant 0 : i32
      %dma_start3A_329 = tpu.memref_slice %arg4[%add3A_325, %dma_start3A_328] : memref<65536x1024xf32, #tpu.memory_space<hbm>> -> memref<8x1024xf32, #tpu.memory_space<hbm>>
      tpu.enqueue_dma source(%arg9 : memref<8x1024xf32, #tpu.memory_space<vmem>>) target(%dma_start3A_329 : memref<8x1024xf32, #tpu.memory_space<hbm>>) target_semaphore(%arg25 : memref<!tpu.dma_semaphore, #tpu.memory_space<semaphore_mem>>)
      %sub3A_330 = arith.constant 4 : i32
      %sub3A_331 = arith.subi %add3A_316, %sub3A_330 : i32
      %add3A_332 = arith.constant 8 : i32
      %add3A_333 = arith.addi %sub3A_331, %add3A_332 : i32
      %lt3A_334 = arith.constant 256 : i32
      %lt3A_335 = arith.cmpi slt, %add3A_333, %lt3A_334 : i32
      %convert_element_type3A_336 = arith.extui %lt3A_335 : i1 to i32
      %cond3A_337 = arith.constant 0 : i32
      %cond3A_338 = arith.cmpi ne, %convert_element_type3A_336, %cond3A_337 : i32
      scf.if %cond3A_338 {
        %mul3A_444 = arith.constant 8 : i32
        %mul3A_445 = arith.muli %sub3A_331, %mul3A_444 : i32
        %add3A_446 = arith.addi %mul3A_2, %mul3A_445 : i32
        %dma_wait3A_447 = arith.constant 0 : i32
        %dma_wait3A_448 = tpu.memref_slice %arg4[%add3A_446, %dma_wait3A_447] : memref<65536x1024xf32, #tpu.memory_space<hbm>> -> memref<8x1024xf32, #tpu.memory_space<hbm>>
        %dma_wait3A_449 = arith.constant 0 : i32
        %dma_wait3A_450 = tpu.memref_slice %arg4[%add3A_446, %dma_wait3A_449] : memref<65536x1024xf32, #tpu.memory_space<hbm>> -> memref<8x1024xf32, #tpu.memory_space<hbm>>
        tpu.wait_dma2 semaphore(%arg29 : memref<!tpu.dma_semaphore, #tpu.memory_space<semaphore_mem>>) src(%arg13 : memref<8x1024xf32, #tpu.memory_space<vmem>>) dst(%dma_wait3A_450 : memref<8x1024xf32, #tpu.memory_space<hbm>>)
        %add3A_451 = arith.constant 8 : i32
        %add3A_452 = arith.addi %sub3A_331, %add3A_451 : i32
        %mul3A_453 = arith.constant 8 : i32
        %mul3A_454 = arith.muli %add3A_452, %mul3A_453 : i32
        %dma_start3A_455 = tpu.memref_slice %arg5[%mul3A_454] : memref<2048xi32, #tpu.memory_space<vmem>> -> memref<8xi32, #tpu.memory_space<vmem>>
        %dma_start3A_456 = arith.constant 0 : i32
        %dma_start3A_457 = arith.constant 0 : i32
        %dma_start3A_458 = tpu.memref_slice %arg2[%dma_start3A_456, %dma_start3A_457] : memref<8192x1024xf32, #tpu.memory_space<hbm>> -> memref<8192x1024xf32, #tpu.memory_space<hbm>>
        tpu.enqueue_indirect_dma source(%dma_start3A_458 : memref<8192x1024xf32, #tpu.memory_space<hbm>>) target(%arg13 : memref<8x1024xf32, #tpu.memory_space<vmem>>) offsets(%dma_start3A_455 : memref<8xi32, #tpu.memory_space<vmem>>) semaphore(%arg21 : memref<!tpu.dma_semaphore, #tpu.memory_space<semaphore_mem>>)
      } else {
      }
      %mul3A_339 = arith.constant 8 : i32
      %mul3A_340 = arith.muli %scan3A_237, %mul3A_339 : i32
      %add3A_341 = arith.constant 4 : i32
      %add3A_342 = arith.addi %mul3A_340, %add3A_341 : i32
      %mul3A_343 = arith.constant 8 : i32
      %mul3A_344 = arith.muli %add3A_342, %mul3A_343 : i32
      %dma_wait3A_345 = tpu.memref_slice %arg5[%mul3A_344] : memref<2048xi32, #tpu.memory_space<vmem>> -> memref<8xi32, #tpu.memory_space<vmem>>
      %dma_wait3A_346 = arith.constant 0 : i32
      %dma_wait3A_347 = arith.constant 0 : i32
      %dma_wait3A_348 = tpu.memref_slice %arg2[%dma_wait3A_346, %dma_wait3A_347] : memref<8192x1024xf32, #tpu.memory_space<hbm>> -> memref<8192x1024xf32, #tpu.memory_space<hbm>>
      tpu.wait_indirect_dma semaphore(%arg18 : memref<!tpu.dma_semaphore, #tpu.memory_space<semaphore_mem>>) src(%dma_wait3A_348 : memref<8192x1024xf32, #tpu.memory_space<hbm>>) dst(%arg10 : memref<8x1024xf32, #tpu.memory_space<vmem>>)
      %mul3A_349 = arith.constant 8 : i32
      %mul3A_350 = arith.muli %add3A_342, %mul3A_349 : i32
      %add3A_351 = arith.addi %mul3A_2, %mul3A_350 : i32
      %dma_start3A_352 = arith.constant 0 : i32
      %dma_start3A_353 = tpu.memref_slice %arg4[%add3A_351, %dma_start3A_352] : memref<65536x1024xf32, #tpu.memory_space<hbm>> -> memref<8x1024xf32, #tpu.memory_space<hbm>>
      %dma_start3A_354 = arith.constant 0 : i32
      %dma_start3A_355 = tpu.memref_slice %arg4[%add3A_351, %dma_start3A_354] : memref<65536x1024xf32, #tpu.memory_space<hbm>> -> memref<8x1024xf32, #tpu.memory_space<hbm>>
      tpu.enqueue_dma source(%arg10 : memref<8x1024xf32, #tpu.memory_space<vmem>>) target(%dma_start3A_355 : memref<8x1024xf32, #tpu.memory_space<hbm>>) target_semaphore(%arg26 : memref<!tpu.dma_semaphore, #tpu.memory_space<semaphore_mem>>)
      %sub3A_356 = arith.constant 4 : i32
      %sub3A_357 = arith.subi %add3A_342, %sub3A_356 : i32
      %add3A_358 = arith.constant 8 : i32
      %add3A_359 = arith.addi %sub3A_357, %add3A_358 : i32
      %lt3A_360 = arith.constant 256 : i32
      %lt3A_361 = arith.cmpi slt, %add3A_359, %lt3A_360 : i32
      %convert_element_type3A_362 = arith.extui %lt3A_361 : i1 to i32
      %cond3A_363 = arith.constant 0 : i32
      %cond3A_364 = arith.cmpi ne, %convert_element_type3A_362, %cond3A_363 : i32
      scf.if %cond3A_364 {
        %mul3A_444 = arith.constant 8 : i32
        %mul3A_445 = arith.muli %sub3A_357, %mul3A_444 : i32
        %add3A_446 = arith.addi %mul3A_2, %mul3A_445 : i32
        %dma_wait3A_447 = arith.constant 0 : i32
        %dma_wait3A_448 = tpu.memref_slice %arg4[%add3A_446, %dma_wait3A_447] : memref<65536x1024xf32, #tpu.memory_space<hbm>> -> memref<8x1024xf32, #tpu.memory_space<hbm>>
        %dma_wait3A_449 = arith.constant 0 : i32
        %dma_wait3A_450 = tpu.memref_slice %arg4[%add3A_446, %dma_wait3A_449] : memref<65536x1024xf32, #tpu.memory_space<hbm>> -> memref<8x1024xf32, #tpu.memory_space<hbm>>
        tpu.wait_dma2 semaphore(%arg22 : memref<!tpu.dma_semaphore, #tpu.memory_space<semaphore_mem>>) src(%arg6 : memref<8x1024xf32, #tpu.memory_space<vmem>>) dst(%dma_wait3A_450 : memref<8x1024xf32, #tpu.memory_space<hbm>>)
        %add3A_451 = arith.constant 8 : i32
        %add3A_452 = arith.addi %sub3A_357, %add3A_451 : i32
        %mul3A_453 = arith.constant 8 : i32
        %mul3A_454 = arith.muli %add3A_452, %mul3A_453 : i32
        %dma_start3A_455 = tpu.memref_slice %arg5[%mul3A_454] : memref<2048xi32, #tpu.memory_space<vmem>> -> memref<8xi32, #tpu.memory_space<vmem>>
        %dma_start3A_456 = arith.constant 0 : i32
        %dma_start3A_457 = arith.constant 0 : i32
        %dma_start3A_458 = tpu.memref_slice %arg2[%dma_start3A_456, %dma_start3A_457] : memref<8192x1024xf32, #tpu.memory_space<hbm>> -> memref<8192x1024xf32, #tpu.memory_space<hbm>>
        tpu.enqueue_indirect_dma source(%dma_start3A_458 : memref<8192x1024xf32, #tpu.memory_space<hbm>>) target(%arg6 : memref<8x1024xf32, #tpu.memory_space<vmem>>) offsets(%dma_start3A_455 : memref<8xi32, #tpu.memory_space<vmem>>) semaphore(%arg14 : memref<!tpu.dma_semaphore, #tpu.memory_space<semaphore_mem>>)
      } else {
      }
      %mul3A_365 = arith.constant 8 : i32
      %mul3A_366 = arith.muli %scan3A_237, %mul3A_365 : i32
      %add3A_367 = arith.constant 5 : i32
      %add3A_368 = arith.addi %mul3A_366, %add3A_367 : i32
      %mul3A_369 = arith.constant 8 : i32
      %mul3A_370 = arith.muli %add3A_368, %mul3A_369 : i32
      %dma_wait3A_371 = tpu.memref_slice %arg5[%mul3A_370] : memref<2048xi32, #tpu.memory_space<vmem>> -> memref<8xi32, #tpu.memory_space<vmem>>
      %dma_wait3A_372 = arith.constant 0 : i32
      %dma_wait3A_373 = arith.constant 0 : i32
      %dma_wait3A_374 = tpu.memref_slice %arg2[%dma_wait3A_372, %dma_wait3A_373] : memref<8192x1024xf32, #tpu.memory_space<hbm>> -> memref<8192x1024xf32, #tpu.memory_space<hbm>>
      tpu.wait_indirect_dma semaphore(%arg19 : memref<!tpu.dma_semaphore, #tpu.memory_space<semaphore_mem>>) src(%dma_wait3A_374 : memref<8192x1024xf32, #tpu.memory_space<hbm>>) dst(%arg11 : memref<8x1024xf32, #tpu.memory_space<vmem>>)
      %mul3A_375 = arith.constant 8 : i32
      %mul3A_376 = arith.muli %add3A_368, %mul3A_375 : i32
      %add3A_377 = arith.addi %mul3A_2, %mul3A_376 : i32
      %dma_start3A_378 = arith.constant 0 : i32
      %dma_start3A_379 = tpu.memref_slice %arg4[%add3A_377, %dma_start3A_378] : memref<65536x1024xf32, #tpu.memory_space<hbm>> -> memref<8x1024xf32, #tpu.memory_space<hbm>>
      %dma_start3A_380 = arith.constant 0 : i32
      %dma_start3A_381 = tpu.memref_slice %arg4[%add3A_377, %dma_start3A_380] : memref<65536x1024xf32, #tpu.memory_space<hbm>> -> memref<8x1024xf32, #tpu.memory_space<hbm>>
      tpu.enqueue_dma source(%arg11 : memref<8x1024xf32, #tpu.memory_space<vmem>>) target(%dma_start3A_381 : memref<8x1024xf32, #tpu.memory_space<hbm>>) target_semaphore(%arg27 : memref<!tpu.dma_semaphore, #tpu.memory_space<semaphore_mem>>)
      %sub3A_382 = arith.constant 4 : i32
      %sub3A_383 = arith.subi %add3A_368, %sub3A_382 : i32
      %add3A_384 = arith.constant 8 : i32
      %add3A_385 = arith.addi %sub3A_383, %add3A_384 : i32
      %lt3A_386 = arith.constant 256 : i32
      %lt3A_387 = arith.cmpi slt, %add3A_385, %lt3A_386 : i32
      %convert_element_type3A_388 = arith.extui %lt3A_387 : i1 to i32
      %cond3A_389 = arith.constant 0 : i32
      %cond3A_390 = arith.cmpi ne, %convert_element_type3A_388, %cond3A_389 : i32
      scf.if %cond3A_390 {
        %mul3A_444 = arith.constant 8 : i32
        %mul3A_445 = arith.muli %sub3A_383, %mul3A_444 : i32
        %add3A_446 = arith.addi %mul3A_2, %mul3A_445 : i32
        %dma_wait3A_447 = arith.constant 0 : i32
        %dma_wait3A_448 = tpu.memref_slice %arg4[%add3A_446, %dma_wait3A_447] : memref<65536x1024xf32, #tpu.memory_space<hbm>> -> memref<8x1024xf32, #tpu.memory_space<hbm>>
        %dma_wait3A_449 = arith.constant 0 : i32
        %dma_wait3A_450 = tpu.memref_slice %arg4[%add3A_446, %dma_wait3A_449] : memref<65536x1024xf32, #tpu.memory_space<hbm>> -> memref<8x1024xf32, #tpu.memory_space<hbm>>
        tpu.wait_dma2 semaphore(%arg23 : memref<!tpu.dma_semaphore, #tpu.memory_space<semaphore_mem>>) src(%arg7 : memref<8x1024xf32, #tpu.memory_space<vmem>>) dst(%dma_wait3A_450 : memref<8x1024xf32, #tpu.memory_space<hbm>>)
        %add3A_451 = arith.constant 8 : i32
        %add3A_452 = arith.addi %sub3A_383, %add3A_451 : i32
        %mul3A_453 = arith.constant 8 : i32
        %mul3A_454 = arith.muli %add3A_452, %mul3A_453 : i32
        %dma_start3A_455 = tpu.memref_slice %arg5[%mul3A_454] : memref<2048xi32, #tpu.memory_space<vmem>> -> memref<8xi32, #tpu.memory_space<vmem>>
        %dma_start3A_456 = arith.constant 0 : i32
        %dma_start3A_457 = arith.constant 0 : i32
        %dma_start3A_458 = tpu.memref_slice %arg2[%dma_start3A_456, %dma_start3A_457] : memref<8192x1024xf32, #tpu.memory_space<hbm>> -> memref<8192x1024xf32, #tpu.memory_space<hbm>>
        tpu.enqueue_indirect_dma source(%dma_start3A_458 : memref<8192x1024xf32, #tpu.memory_space<hbm>>) target(%arg7 : memref<8x1024xf32, #tpu.memory_space<vmem>>) offsets(%dma_start3A_455 : memref<8xi32, #tpu.memory_space<vmem>>) semaphore(%arg15 : memref<!tpu.dma_semaphore, #tpu.memory_space<semaphore_mem>>)
      } else {
      }
      %mul3A_391 = arith.constant 8 : i32
      %mul3A_392 = arith.muli %scan3A_237, %mul3A_391 : i32
      %add3A_393 = arith.constant 6 : i32
      %add3A_394 = arith.addi %mul3A_392, %add3A_393 : i32
      %mul3A_395 = arith.constant 8 : i32
      %mul3A_396 = arith.muli %add3A_394, %mul3A_395 : i32
      %dma_wait3A_397 = tpu.memref_slice %arg5[%mul3A_396] : memref<2048xi32, #tpu.memory_space<vmem>> -> memref<8xi32, #tpu.memory_space<vmem>>
      %dma_wait3A_398 = arith.constant 0 : i32
      %dma_wait3A_399 = arith.constant 0 : i32
      %dma_wait3A_400 = tpu.memref_slice %arg2[%dma_wait3A_398, %dma_wait3A_399] : memref<8192x1024xf32, #tpu.memory_space<hbm>> -> memref<8192x1024xf32, #tpu.memory_space<hbm>>
      tpu.wait_indirect_dma semaphore(%arg20 : memref<!tpu.dma_semaphore, #tpu.memory_space<semaphore_mem>>) src(%dma_wait3A_400 : memref<8192x1024xf32, #tpu.memory_space<hbm>>) dst(%arg12 : memref<8x1024xf32, #tpu.memory_space<vmem>>)
      %mul3A_401 = arith.constant 8 : i32
      %mul3A_402 = arith.muli %add3A_394, %mul3A_401 : i32
      %add3A_403 = arith.addi %mul3A_2, %mul3A_402 : i32
      %dma_start3A_404 = arith.constant 0 : i32
      %dma_start3A_405 = tpu.memref_slice %arg4[%add3A_403, %dma_start3A_404] : memref<65536x1024xf32, #tpu.memory_space<hbm>> -> memref<8x1024xf32, #tpu.memory_space<hbm>>
      %dma_start3A_406 = arith.constant 0 : i32
      %dma_start3A_407 = tpu.memref_slice %arg4[%add3A_403, %dma_start3A_406] : memref<65536x1024xf32, #tpu.memory_space<hbm>> -> memref<8x1024xf32, #tpu.memory_space<hbm>>
      tpu.enqueue_dma source(%arg12 : memref<8x1024xf32, #tpu.memory_space<vmem>>) target(%dma_start3A_407 : memref<8x1024xf32, #tpu.memory_space<hbm>>) target_semaphore(%arg28 : memref<!tpu.dma_semaphore, #tpu.memory_space<semaphore_mem>>)
      %sub3A_408 = arith.constant 4 : i32
      %sub3A_409 = arith.subi %add3A_394, %sub3A_408 : i32
      %add3A_410 = arith.constant 8 : i32
      %add3A_411 = arith.addi %sub3A_409, %add3A_410 : i32
      %lt3A_412 = arith.constant 256 : i32
      %lt3A_413 = arith.cmpi slt, %add3A_411, %lt3A_412 : i32
      %convert_element_type3A_414 = arith.extui %lt3A_413 : i1 to i32
      %cond3A_415 = arith.constant 0 : i32
      %cond3A_416 = arith.cmpi ne, %convert_element_type3A_414, %cond3A_415 : i32
      scf.if %cond3A_416 {
        %mul3A_444 = arith.constant 8 : i32
        %mul3A_445 = arith.muli %sub3A_409, %mul3A_444 : i32
        %add3A_446 = arith.addi %mul3A_2, %mul3A_445 : i32
        %dma_wait3A_447 = arith.constant 0 : i32
        %dma_wait3A_448 = tpu.memref_slice %arg4[%add3A_446, %dma_wait3A_447] : memref<65536x1024xf32, #tpu.memory_space<hbm>> -> memref<8x1024xf32, #tpu.memory_space<hbm>>
        %dma_wait3A_449 = arith.constant 0 : i32
        %dma_wait3A_450 = tpu.memref_slice %arg4[%add3A_446, %dma_wait3A_449] : memref<65536x1024xf32, #tpu.memory_space<hbm>> -> memref<8x1024xf32, #tpu.memory_space<hbm>>
        tpu.wait_dma2 semaphore(%arg24 : memref<!tpu.dma_semaphore, #tpu.memory_space<semaphore_mem>>) src(%arg8 : memref<8x1024xf32, #tpu.memory_space<vmem>>) dst(%dma_wait3A_450 : memref<8x1024xf32, #tpu.memory_space<hbm>>)
        %add3A_451 = arith.constant 8 : i32
        %add3A_452 = arith.addi %sub3A_409, %add3A_451 : i32
        %mul3A_453 = arith.constant 8 : i32
        %mul3A_454 = arith.muli %add3A_452, %mul3A_453 : i32
        %dma_start3A_455 = tpu.memref_slice %arg5[%mul3A_454] : memref<2048xi32, #tpu.memory_space<vmem>> -> memref<8xi32, #tpu.memory_space<vmem>>
        %dma_start3A_456 = arith.constant 0 : i32
        %dma_start3A_457 = arith.constant 0 : i32
        %dma_start3A_458 = tpu.memref_slice %arg2[%dma_start3A_456, %dma_start3A_457] : memref<8192x1024xf32, #tpu.memory_space<hbm>> -> memref<8192x1024xf32, #tpu.memory_space<hbm>>
        tpu.enqueue_indirect_dma source(%dma_start3A_458 : memref<8192x1024xf32, #tpu.memory_space<hbm>>) target(%arg8 : memref<8x1024xf32, #tpu.memory_space<vmem>>) offsets(%dma_start3A_455 : memref<8xi32, #tpu.memory_space<vmem>>) semaphore(%arg16 : memref<!tpu.dma_semaphore, #tpu.memory_space<semaphore_mem>>)
      } else {
      }
      %mul3A_417 = arith.constant 8 : i32
      %mul3A_418 = arith.muli %scan3A_237, %mul3A_417 : i32
      %add3A_419 = arith.constant 7 : i32
      %add3A_420 = arith.addi %mul3A_418, %add3A_419 : i32
      %mul3A_421 = arith.constant 8 : i32
      %mul3A_422 = arith.muli %add3A_420, %mul3A_421 : i32
      %dma_wait3A_423 = tpu.memref_slice %arg5[%mul3A_422] : memref<2048xi32, #tpu.memory_space<vmem>> -> memref<8xi32, #tpu.memory_space<vmem>>
      %dma_wait3A_424 = arith.constant 0 : i32
      %dma_wait3A_425 = arith.constant 0 : i32
      %dma_wait3A_426 = tpu.memref_slice %arg2[%dma_wait3A_424, %dma_wait3A_425] : memref<8192x1024xf32, #tpu.memory_space<hbm>> -> memref<8192x1024xf32, #tpu.memory_space<hbm>>
      tpu.wait_indirect_dma semaphore(%arg21 : memref<!tpu.dma_semaphore, #tpu.memory_space<semaphore_mem>>) src(%dma_wait3A_426 : memref<8192x1024xf32, #tpu.memory_space<hbm>>) dst(%arg13 : memref<8x1024xf32, #tpu.memory_space<vmem>>)
      %mul3A_427 = arith.constant 8 : i32
      %mul3A_428 = arith.muli %add3A_420, %mul3A_427 : i32
      %add3A_429 = arith.addi %mul3A_2, %mul3A_428 : i32
      %dma_start3A_430 = arith.constant 0 : i32
      %dma_start3A_431 = tpu.memref_slice %arg4[%add3A_429, %dma_start3A_430] : memref<65536x1024xf32, #tpu.memory_space<hbm>> -> memref<8x1024xf32, #tpu.memory_space<hbm>>
      %dma_start3A_432 = arith.constant 0 : i32
      %dma_start3A_433 = tpu.memref_slice %arg4[%add3A_429, %dma_start3A_432] : memref<65536x1024xf32, #tpu.memory_space<hbm>> -> memref<8x1024xf32, #tpu.memory_space<hbm>>
      tpu.enqueue_dma source(%arg13 : memref<8x1024xf32, #tpu.memory_space<vmem>>) target(%dma_start3A_433 : memref<8x1024xf32, #tpu.memory_space<hbm>>) target_semaphore(%arg29 : memref<!tpu.dma_semaphore, #tpu.memory_space<semaphore_mem>>)
      %sub3A_434 = arith.constant 4 : i32
      %sub3A_435 = arith.subi %add3A_420, %sub3A_434 : i32
      %add3A_436 = arith.constant 8 : i32
      %add3A_437 = arith.addi %sub3A_435, %add3A_436 : i32
      %lt3A_438 = arith.constant 256 : i32
      %lt3A_439 = arith.cmpi slt, %add3A_437, %lt3A_438 : i32
      %convert_element_type3A_440 = arith.extui %lt3A_439 : i1 to i32
      %cond3A_441 = arith.constant 0 : i32
      %cond3A_442 = arith.cmpi ne, %convert_element_type3A_440, %cond3A_441 : i32
      scf.if %cond3A_442 {
        %mul3A_444 = arith.constant 8 : i32
        %mul3A_445 = arith.muli %sub3A_435, %mul3A_444 : i32
        %add3A_446 = arith.addi %mul3A_2, %mul3A_445 : i32
        %dma_wait3A_447 = arith.constant 0 : i32
        %dma_wait3A_448 = tpu.memref_slice %arg4[%add3A_446, %dma_wait3A_447] : memref<65536x1024xf32, #tpu.memory_space<hbm>> -> memref<8x1024xf32, #tpu.memory_space<hbm>>
        %dma_wait3A_449 = arith.constant 0 : i32
        %dma_wait3A_450 = tpu.memref_slice %arg4[%add3A_446, %dma_wait3A_449] : memref<65536x1024xf32, #tpu.memory_space<hbm>> -> memref<8x1024xf32, #tpu.memory_space<hbm>>
        tpu.wait_dma2 semaphore(%arg25 : memref<!tpu.dma_semaphore, #tpu.memory_space<semaphore_mem>>) src(%arg9 : memref<8x1024xf32, #tpu.memory_space<vmem>>) dst(%dma_wait3A_450 : memref<8x1024xf32, #tpu.memory_space<hbm>>)
        %add3A_451 = arith.constant 8 : i32
        %add3A_452 = arith.addi %sub3A_435, %add3A_451 : i32
        %mul3A_453 = arith.constant 8 : i32
        %mul3A_454 = arith.muli %add3A_452, %mul3A_453 : i32
        %dma_start3A_455 = tpu.memref_slice %arg5[%mul3A_454] : memref<2048xi32, #tpu.memory_space<vmem>> -> memref<8xi32, #tpu.memory_space<vmem>>
        %dma_start3A_456 = arith.constant 0 : i32
        %dma_start3A_457 = arith.constant 0 : i32
        %dma_start3A_458 = tpu.memref_slice %arg2[%dma_start3A_456, %dma_start3A_457] : memref<8192x1024xf32, #tpu.memory_space<hbm>> -> memref<8192x1024xf32, #tpu.memory_space<hbm>>
        tpu.enqueue_indirect_dma source(%dma_start3A_458 : memref<8192x1024xf32, #tpu.memory_space<hbm>>) target(%arg9 : memref<8x1024xf32, #tpu.memory_space<vmem>>) offsets(%dma_start3A_455 : memref<8xi32, #tpu.memory_space<vmem>>) semaphore(%arg17 : memref<!tpu.dma_semaphore, #tpu.memory_space<semaphore_mem>>)
      } else {
      }
      %scan3A_443 = arith.constant 0 : i32
      scf.yield %scan3A_443 : i32
    }
    %scan3A_188 = arith.constant 31 : i32
    %add3A_189 = arith.constant 1984 : i32
    %add3A_190 = arith.addi %mul3A_2, %add3A_189 : i32
    %dma_wait3A_191 = arith.constant 0 : i32
    %dma_wait3A_192 = tpu.memref_slice %arg4[%add3A_190, %dma_wait3A_191] : memref<65536x1024xf32, #tpu.memory_space<hbm>> -> memref<8x1024xf32, #tpu.memory_space<hbm>>
    %dma_wait3A_193 = arith.constant 0 : i32
    %dma_wait3A_194 = tpu.memref_slice %arg4[%add3A_190, %dma_wait3A_193] : memref<65536x1024xf32, #tpu.memory_space<hbm>> -> memref<8x1024xf32, #tpu.memory_space<hbm>>
    tpu.wait_dma2 semaphore(%arg22 : memref<!tpu.dma_semaphore, #tpu.memory_space<semaphore_mem>>) src(%arg6 : memref<8x1024xf32, #tpu.memory_space<vmem>>) dst(%dma_wait3A_194 : memref<8x1024xf32, #tpu.memory_space<hbm>>)
    %add3A_195 = arith.constant 1992 : i32
    %add3A_196 = arith.addi %mul3A_2, %add3A_195 : i32
    %dma_wait3A_197 = arith.constant 0 : i32
    %dma_wait3A_198 = tpu.memref_slice %arg4[%add3A_196, %dma_wait3A_197] : memref<65536x1024xf32, #tpu.memory_space<hbm>> -> memref<8x1024xf32, #tpu.memory_space<hbm>>
    %dma_wait3A_199 = arith.constant 0 : i32
    %dma_wait3A_200 = tpu.memref_slice %arg4[%add3A_196, %dma_wait3A_199] : memref<65536x1024xf32, #tpu.memory_space<hbm>> -> memref<8x1024xf32, #tpu.memory_space<hbm>>
    tpu.wait_dma2 semaphore(%arg23 : memref<!tpu.dma_semaphore, #tpu.memory_space<semaphore_mem>>) src(%arg7 : memref<8x1024xf32, #tpu.memory_space<vmem>>) dst(%dma_wait3A_200 : memref<8x1024xf32, #tpu.memory_space<hbm>>)
    %add3A_201 = arith.constant 2000 : i32
    %add3A_202 = arith.addi %mul3A_2, %add3A_201 : i32
    %dma_wait3A_203 = arith.constant 0 : i32
    %dma_wait3A_204 = tpu.memref_slice %arg4[%add3A_202, %dma_wait3A_203] : memref<65536x1024xf32, #tpu.memory_space<hbm>> -> memref<8x1024xf32, #tpu.memory_space<hbm>>
    %dma_wait3A_205 = arith.constant 0 : i32
    %dma_wait3A_206 = tpu.memref_slice %arg4[%add3A_202, %dma_wait3A_205] : memref<65536x1024xf32, #tpu.memory_space<hbm>> -> memref<8x1024xf32, #tpu.memory_space<hbm>>
    tpu.wait_dma2 semaphore(%arg24 : memref<!tpu.dma_semaphore, #tpu.memory_space<semaphore_mem>>) src(%arg8 : memref<8x1024xf32, #tpu.memory_space<vmem>>) dst(%dma_wait3A_206 : memref<8x1024xf32, #tpu.memory_space<hbm>>)
    %add3A_207 = arith.constant 2008 : i32
    %add3A_208 = arith.addi %mul3A_2, %add3A_207 : i32
    %dma_wait3A_209 = arith.constant 0 : i32
    %dma_wait3A_210 = tpu.memref_slice %arg4[%add3A_208, %dma_wait3A_209] : memref<65536x1024xf32, #tpu.memory_space<hbm>> -> memref<8x1024xf32, #tpu.memory_space<hbm>>
    %dma_wait3A_211 = arith.constant 0 : i32
    %dma_wait3A_212 = tpu.memref_slice %arg4[%add3A_208, %dma_wait3A_211] : memref<65536x1024xf32, #tpu.memory_space<hbm>> -> memref<8x1024xf32, #tpu.memory_space<hbm>>
    tpu.wait_dma2 semaphore(%arg25 : memref<!tpu.dma_semaphore, #tpu.memory_space<semaphore_mem>>) src(%arg9 : memref<8x1024xf32, #tpu.memory_space<vmem>>) dst(%dma_wait3A_212 : memref<8x1024xf32, #tpu.memory_space<hbm>>)
    %add3A_213 = arith.constant 2016 : i32
    %add3A_214 = arith.addi %mul3A_2, %add3A_213 : i32
    %dma_wait3A_215 = arith.constant 0 : i32
    %dma_wait3A_216 = tpu.memref_slice %arg4[%add3A_214, %dma_wait3A_215] : memref<65536x1024xf32, #tpu.memory_space<hbm>> -> memref<8x1024xf32, #tpu.memory_space<hbm>>
    %dma_wait3A_217 = arith.constant 0 : i32
    %dma_wait3A_218 = tpu.memref_slice %arg4[%add3A_214, %dma_wait3A_217] : memref<65536x1024xf32, #tpu.memory_space<hbm>> -> memref<8x1024xf32, #tpu.memory_space<hbm>>
    tpu.wait_dma2 semaphore(%arg26 : memref<!tpu.dma_semaphore, #tpu.memory_space<semaphore_mem>>) src(%arg10 : memref<8x1024xf32, #tpu.memory_space<vmem>>) dst(%dma_wait3A_218 : memref<8x1024xf32, #tpu.memory_space<hbm>>)
    %add3A_219 = arith.constant 2024 : i32
    %add3A_220 = arith.addi %mul3A_2, %add3A_219 : i32
    %dma_wait3A_221 = arith.constant 0 : i32
    %dma_wait3A_222 = tpu.memref_slice %arg4[%add3A_220, %dma_wait3A_221] : memref<65536x1024xf32, #tpu.memory_space<hbm>> -> memref<8x1024xf32, #tpu.memory_space<hbm>>
    %dma_wait3A_223 = arith.constant 0 : i32
    %dma_wait3A_224 = tpu.memref_slice %arg4[%add3A_220, %dma_wait3A_223] : memref<65536x1024xf32, #tpu.memory_space<hbm>> -> memref<8x1024xf32, #tpu.memory_space<hbm>>
    tpu.wait_dma2 semaphore(%arg27 : memref<!tpu.dma_semaphore, #tpu.memory_space<semaphore_mem>>) src(%arg11 : memref<8x1024xf32, #tpu.memory_space<vmem>>) dst(%dma_wait3A_224 : memref<8x1024xf32, #tpu.memory_space<hbm>>)
    %add3A_225 = arith.constant 2032 : i32
    %add3A_226 = arith.addi %mul3A_2, %add3A_225 : i32
    %dma_wait3A_227 = arith.constant 0 : i32
    %dma_wait3A_228 = tpu.memref_slice %arg4[%add3A_226, %dma_wait3A_227] : memref<65536x1024xf32, #tpu.memory_space<hbm>> -> memref<8x1024xf32, #tpu.memory_space<hbm>>
    %dma_wait3A_229 = arith.constant 0 : i32
    %dma_wait3A_230 = tpu.memref_slice %arg4[%add3A_226, %dma_wait3A_229] : memref<65536x1024xf32, #tpu.memory_space<hbm>> -> memref<8x1024xf32, #tpu.memory_space<hbm>>
    tpu.wait_dma2 semaphore(%arg28 : memref<!tpu.dma_semaphore, #tpu.memory_space<semaphore_mem>>) src(%arg12 : memref<8x1024xf32, #tpu.memory_space<vmem>>) dst(%dma_wait3A_230 : memref<8x1024xf32, #tpu.memory_space<hbm>>)
    %add3A_231 = arith.constant 2040 : i32
    %add3A_232 = arith.addi %mul3A_2, %add3A_231 : i32
    %dma_wait3A_233 = arith.constant 0 : i32
    %dma_wait3A_234 = tpu.memref_slice %arg4[%add3A_232, %dma_wait3A_233] : memref<65536x1024xf32, #tpu.memory_space<hbm>> -> memref<8x1024xf32, #tpu.memory_space<hbm>>
    %dma_wait3A_235 = arith.constant 0 : i32
    %dma_wait3A_236 = tpu.memref_slice %arg4[%add3A_232, %dma_wait3A_235] : memref<65536x1024xf32, #tpu.memory_space<hbm>> -> memref<8x1024xf32, #tpu.memory_space<hbm>>
    tpu.wait_dma2 semaphore(%arg29 : memref<!tpu.dma_semaphore, #tpu.memory_space<semaphore_mem>>) src(%arg13 : memref<8x1024xf32, #tpu.memory_space<vmem>>) dst(%dma_wait3A_236 : memref<8x1024xf32, #tpu.memory_space<hbm>>)
    return
  }
}

</mosaic_0001>

<sc_bundles>
// kernel: kernel.3.cloned.1.call-start
scs
__scs_entry_jumppad:
0x0: {  	(pc) =	sbr.rel $0x88, $3  }
0x1: {  	(tag) =	ssettag $0x0;
	lr =	simm.s32 $0x1  }
0x2: {  	[smem:$0x3F9F] =	sst lr;
	_ =	strace $0xD0000000  }
0x3: {  	_ = 	snop  }
0x4: {  	_ = 	snop  }
0x5: {  	_ = 	snop  }
0x6: {  	_ = 	snop  }
0x7: {  	_ = 	snop  }
__scs_overlays_trampoline_lowered:
0x8: {  	[smem:$0x3FAE] =	sst s0  }
0x9: {  	[smem:$0x3FAF] =	sst s1  }
0xa: {  	[smem:$0x3FB0] =	sst s2  }
0xb: {  	[smem:$0x3FB1] =	sst s3  }
0xc: {  	[smem:$0x3FB2] =	sst s4  }
0xd: {  	[smem:$0x3FB3] =	sst s5  }
0xe: {  	[smem:$0x3FB4] =	sst s6  }
0xf: {  	[smem:$0x3FB5] =	sst s7  }
0x10: {  	[smem:$0x3FB6] =	sst s8  }
0x11: {  	[smem:$0x3FB7] =	sst s9;
	s0 =	simm.s32 @!p0 $0x0  }
0x12: {  	s1 =	sld [smem:$0x3F9D];
	s0 =	simm.s32 @p0 $0x1  }
0x13: {  	[smem:$0x3FB8] =	sst s0;
	s0 =	simm.s32 @!p1 $0x0  }
0x14: {  	s2 =	sld [smem:$0x3F9C];
	s0 =	simm.s32 @p1 $0x1  }
0x15: {  	[smem:$0x3FB9] =	sst s0;
	s0 =	simm.s32 @!p2 $0x0  }
0x16: {  	s3 =	sld [smem:$0x3FDB];
	s0 =	simm.s32 @p2 $0x1  }
0x17: {  	s4 =	simm.s32 $0x1BF5;
	[smem:$0x3FBB] =	sst s0  }
0x18: {  	s0 =	sld [smem:$0x3F9E];
	_ =	swait.ge [sflag:s4], $0x0  }
0x19: {  	s7 =	sld [smem:$0x3F9F]  }
0x1a: {  	s8 =	sadd.s32 $0xFFFFE003, lr  }
0x1b: {  	s9 =	sadd.s32 $0xFFFFFEF7, lr;
	s5 =	simm.s32 $0xFFFFFFFF;
	p2 =	slt.u32 s8, $0xFFFFF086  }
0x1c: {  	p1 =	slt.u32 s9, $0xF7A;
	s5 =	simm.s32 @!p2 $0x0  }
0x1d: {  	s5 =	simm.s32 @p1 $0x1;
	p0 =	seq.s32 s7, s2  }
0x1e: {  	s7 =	smul.u32 @!p0 $0xF7A, s2;
	p2 =	seq.s32 @!p0 s5, $0x0  }
0x1f: {  	s9 =	smul.u32 $0xF7A, s1;
	s8 =	simm.s32 @!p0 $0x1BF5;
	p2 =	por !p2, p0  }
0x20: {  	[sflag:s8] =	ssyncset.s32 @!p0 $0xFFFFF086;
	s6 =	sadd.s32 @!p0 s3, s7;
	s7 =	simm.s32 @!p0 $0x108  }
0x21: {  	s3 =	sadd.s32 s3, s9;
	s6 =	sadd.s32 @!p0 $0x88, s6;
	s7 =	simm.s32 @p2 $0x1082  }
0x22: {  	[simem:s7], [sflag:s8] =	dma.local @!p0 [hbm:s6], $0xF7A  }
0x23: {  	s9 =	sor.u32 $0xD0000000, s2;
	s6 =	simm.s32 $0x108;
	_ =	swait.ge @!p0 [sflag:s8], $0x0  }
0x24: {  	s3 =	sadd.s32 $0x88, s3;
	s6 =	simm.s32 @!p1 $0x1082;
	[sflag:s4] =	ssyncset.s32 $0xFFFFF086  }
0x25: {  	[simem:s6], [sflag:s4] =	dma.local [hbm:s3], $0xF7A  }
0x26: {  	[smem:$0x3F9F] =	sst s1;
	(tag) =	ssettag s2;
	_ =	strace s9  }
0x27: {  	s1 =	sld [smem:$0x3FAF]  }
0x28: {  	s2 =	sld [smem:$0x3FB0]  }
0x29: {  	s4 =	sld [smem:$0x3FB2]  }
0x2a: {  	p0 =	seq.s32 s5, $0x0;
	s5 =	sld [smem:$0x3FB3]  }
0x2b: {  	s6 =	sld [smem:$0x3FB4]  }
0x2c: {  	s7 =	sld [smem:$0x3FB5]  }
0x2d: {  	s3 =	simm.s32 $0x108;
	s8 =	sld [smem:$0x3FB6]  }
0x2e: {  	s3 =	simm.s32 @!p0 $0x1082;
	s9 =	sld [smem:$0x3FB7]  }
0x2f: {  	lr =	sadd.s32 s0, s3;
	s0 =	sld [smem:$0x3FAE]  }
0x30: {  	s3 =	sld [smem:$0x3FB1]  }
0x31: {  	[smem:$0x3FBA] =	sst s10  }
0x32: {  	s10 =	sld [smem:$0x3FB8];
	_ =	sdelay $0x3  }
0x33: {  	p0 =	seq.s32 s10, $0x1;
	s10 =	sld [smem:$0x3FBA];
	_ =	sdelay $0x3  }
0x34: {  	[smem:$0x3FBA] =	sst s10  }
0x35: {  	s10 =	sld [smem:$0x3FB9];
	_ =	sdelay $0x3  }
0x36: {  	p1 =	seq.s32 s10, $0x1;
	s10 =	sld [smem:$0x3FBA];
	_ =	sdelay $0x3  }
0x37: {  	[smem:$0x3FBA] =	sst s10  }
0x38: {  	s10 =	sld [smem:$0x3FBB]  }
0x39: {  	_ = 	snop;
	(pc) =	sbr.ind lr, $3  }
0x3a: {  	_ = 	snop  }
0x3b: {  	_ = 	snop  }
0x3c: {  	p2 =	seq.s32 s10, $0x1;
	s10 =	sld [smem:$0x3FBA]  }
0x3d: {  	_ =	shalt  }
0x3e: {  	_ =	shalt  }
0x3f: {  	_ =	shalt  }
0x40: {  	_ =	shalt  }
0x41: {  	_ =	shalt  }
0x42: {  	_ =	shalt  }
0x43: {  	_ =	shalt  }
0x44: {  	_ =	shalt  }
0x45: {  	_ =	shalt  }
0x46: {  	_ =	shalt  }
0x47: {  	_ =	shalt  }
0x48: {  	_ =	shalt  }
0x49: {  	_ =	shalt  }
0x4a: {  	_ =	shalt  }
0x4b: {  	_ =	shalt  }
0x4c: {  	_ =	shalt  }
0x4d: {  	_ =	shalt  }
0x4e: {  	_ =	shalt  }
0x4f: {  	_ =	shalt  }
0x50: {  	_ =	shalt  }
0x51: {  	_ =	shalt  }
0x52: {  	_ =	shalt  }
0x53: {  	_ =	shalt  }
0x54: {  	_ =	shalt  }
0x55: {  	_ =	shalt  }
0x56: {  	_ =	shalt  }
0x57: {  	_ =	shalt  }
0x58: {  	_ =	shalt  }
0x59: {  	_ =	shalt  }
0x5a: {  	_ =	shalt  }
0x5b: {  	_ =	shalt  }
0x5c: {  	_ =	shalt  }
0x5d: {  	_ =	shalt  }
0x5e: {  	_ =	shalt  }
0x5f: {  	_ =	shalt  }
0x60: {  	_ =	shalt  }
0x61: {  	_ =	shalt  }
0x62: {  	_ =	shalt  }
0x63: {  	_ =	shalt  }
0x64: {  	_ =	shalt  }
0x65: {  	_ =	shalt  }
0x66: {  	_ =	shalt  }
0x67: {  	_ =	shalt  }
0x68: {  	_ =	shalt  }
0x69: {  	_ =	shalt  }
0x6a: {  	_ =	shalt  }
0x6b: {  	_ =	shalt  }
0x6c: {  	_ =	shalt  }
0x6d: {  	_ =	shalt  }
0x6e: {  	_ =	shalt  }
0x6f: {  	_ =	shalt  }
0x70: {  	_ =	shalt  }
0x71: {  	_ =	shalt  }
0x72: {  	_ =	shalt  }
0x73: {  	_ =	shalt  }
0x74: {  	_ =	shalt  }
0x75: {  	_ =	shalt  }
0x76: {  	_ =	shalt  }
0x77: {  	_ =	shalt  }
0x78: {  	_ =	shalt  }
0x79: {  	_ =	shalt  }
0x7a: {  	_ =	shalt  }
0x7b: {  	_ =	shalt  }
0x7c: {  	_ =	shalt  }
0x7d: {  	_ =	shalt  }
0x7e: {  	_ =	shalt  }
0x7f: {  	_ =	shalt  }
0x80: {  	_ =	shalt  }
0x81: {  	_ =	shalt  }
0x82: {  	_ =	shalt  }
0x83: {  	_ =	shalt  }
0x84: {  	_ =	shalt  }
0x85: {  	_ =	shalt  }
0x86: {  	_ =	shalt  }
0x87: {  	_ =	shalt  }
.Lfunc_end0:
.L_simem_size_0:
called_computation_lowered:
.L_overlay_start_0:
0x88: {  	s2 =	sld [smem:$0x3FD9]  }
0x89: {  	s3 =	sld [smem:$0x3FFE];
	_ =	sdelay $0x1  }
0x8a: {  	s1 =	srdreg.scid  }
0x8b: {  	s0 =	sand.u32 $0x1, s1  }
0x8c: {  	s17 =	sshll.u32 s0, $0xA;
	s2 =	sadd.s32 s3, s2  }
0x8d: {  	s2 =	sadd.s32 s2, s17  }
0x8e: {  	[smem:$0x3FC6] =	sst s2  }
0x8f: {  	_ = 	snop  }
0x90: {  	s2 =	sld [smem:$0x3FC8]  }
0x91: {  	s18 =	sld [smem:$0x3FD0];
	(tm) =	ssettm $0x1  }
0x92: {  	s4 =	sld [smem:$0x3FFB];
	_ =	sdelay $0x3  }
0x93: {  	_ =	strace s4  }
0x94: {  	s4 =	sld [smem:$0x3FFC];
	_ =	sdelay $0x3  }
0x95: {  	_ =	strace s4  }
0x96: {  	s4 =	sld [smem:$0x3FFD];
	_ =	sdelay $0x3  }
0x97: {  	_ =	strace s4  }
0x98: {  	_ =	strace $0x8FFFFFFF  }
0x99: {  	s19 =	sld [smem:$0x3FDB];
	_ =	sdelay $0x1  }
0x9a: {  	s5 =	simm.s32 $_scs_section_size  }
0x9b: {  	s6 =	simm.s32 $_size__tile_overlayer_lowered;
	s7 =	simm.s32 $_tile_overlayer_lowered  }
0x9c: {  	s22 =	simm.s32 $0x1BFF;
	s21 =	sshll.u32 s7, $0x1;
	s4 =	sadd.s32 s5, s19  }
0x9d: {  	s8 =	simm.s32 $0x0;
	s20 =	sshll.u32 s6, $0x1;
	s6 =	sadd.s32 s21, s4  }
0x9e: {  	[timem:s8], [sflag:s22] =	dma.local [hbm:s6], s20  }
0x9f: {  	_ =	swait.ge [sflag:s22], s20  }
0xa0: {  	s5 =	ssub.s32 $0x0, s20;
	[sflag:s22] =	ssyncset.done $0x0  }
0xa1: {  	[sflag:s22] =	ssyncadd.s32 s5;
	_ =	sdelay $0x1  }
0xa2: {  	s23 =	simm.s32 $0x1B8B  }
0xa3: {  	_ =	swait.ge [sflag:s23], $0x1  }
0xa4: {  	[sflag:s23] =	ssyncset.done $0x0  }
0xa5: {  	s25 =	simm.s32 $0x1B8E;
	s24 =	sld [smem:$0x3FFE];
	[sflag:s23] =	ssyncadd.s32 $0xFFFFFFFF  }
0xa6: {  	s26 =	simm.s32 $execute0_lowered;
	[smem:$0x3FD2] =	sst s25  }
0xa7: {  	s6 =	sshll.u32 s26, $0x1;
	_ =	strace $0x80000046;
	[dreg:$0x1] =	wrdreg $0xFFFFFFFF  }
0xa8: {  	s28 =	simm.s32 $_size_execute0_lowered;
	s4 =	sadd.s32 s4, s6;
	[dreg:$0x0] =	wrdreg $0x0  }
0xa9: {  	s6 =	sshll.u32 s28, $0x1;
	[dreg:$0x2] =	wrdreg s4  }
0xaa: {  	[dreg:$0x3] =	wrdreg s6  }
0xab: {  	[dreg:$0x4] =	wrdreg $0xC0  }
0xac: {  	_ =	task [dreg:s8], $0x5FFFF  }
0xad: {  	[dreg:$0x1] =	wrdreg $0xFFFFFFFF  }
0xae: {  	[dreg:$0x0] =	wrdreg $0x60  }
0xaf: {  	[dreg:$0x2] =	wrdreg s2  }
0xb0: {  	[dreg:$0x3] =	wrdreg s24  }
0xb1: {  	[dreg:$0x4] =	wrdreg s18  }
0xb2: {  	[dreg:$0x5] =	wrdreg $0x9  }
0xb3: {  	_ =	task.clear_ibuf [dreg:s8], $0x6FFFF;
	_ =	strace $0x90000046  }
0xb4: {  	s29 =	simm.s32 $0x9;
	_ =	strace $0x80000048  }
0xb5: {  	_ =	swait.ge [sflag:s29], $0x1  }
0xb6: {  	[sflag:s29] =	ssyncadd.s32 $0xFFFFFFFF  }
0xb7: {  	_ =	strace $0x90000048  }
0xb8: {  	_ =	sfence  }
0xb9: {  	s30 =	sld [smem:$0x0];
	_ =	sdelay $0x2  }
0xba: {  	s31 =	sshll.u32 s1, $0xD;
	s1 =	sshrl.u32 s1, $0x2  }
0xbb: {  	s3 =	sand.u32 $0x4000, s31;
	s1 =	sadd.s32 s1, s30  }
0xbc: {  	s0 =	sor.u32 s3, s0;
	s1 =	sshll.u32 s1, $0x11  }
0xbd: {  	s0 =	sor.u32 s1, s0  }
0xbe: {  	s0 =	sadd.s32 $0x8F2B, s0  }
0xbf: {  	[sflag:s0] =	ssyncadd.remote.s32 $0x1  }
0xc0: {  	_ =	sfence.sel $0xFFFF  }
0xc1: {  	[dreg:$0x0] =	wrdreg $0xFFFFFFFF;
	(pc) =	sbr.abs _section_cstart, $3  }
0xc2: {  	[dreg:$0x1] =	wrdreg $0xFFFFFFFF  }
0xc3: {  	_ =	task.clear_ibuf [dreg:s8], $0x2FFFF;
	_ =	strace $0x9FFFFFFF  }
0xc4: {  	(tm) =	ssettm $0x7FFFFFFF  }
0xc5: {  	_ =	shalt  }
tec
execute0_lowered:
.L_overlay_start_1:
0x0: {  	(tag) =	ssettag $0x1  }
0x1: {  	s2 =	rddreg [dreg:$0x0]  }
0x2: {  	s0 =	rddreg [dreg:$0x1]  }
0x3: {  	s1 =	rddreg [dreg:$0x2]  }
0x4: {  	s3 =	srdreg.scid;
	s9 =	stileid.u32;
	s30 =	simm.s32 $0xE800  }
0x5: {  	s11 =	simm.s32 $0x4;
	s13 =	simm.s32 $0x5;
	s14 =	simm.s32 $0x7  }
0x6: {  	s28 =	simm.s32 $0xF;
	s29 =	simm.s32 $0x10;
	s4 =	sand.u32 $0x1, s3  }
0x7: {  	s5 =	sshll.u32 s9, $0x1;
	s3 =	simm.s32 $0x0;
	s26 =	sshll.u32 s9, $0x13  }
0x8: {  	s9 =	simm.s32 $0x2;
	s5 =	sor.u32 s4, s5;
	s6 =	ssub.s32 $0x2, s4  }
0x9: {  	[smem:$0x7FF] =	sst s3;
	s31 =	sshll.u32 s4, $0x12;
	s4 =	simm.s32 $0x0  }
0xa: {  	s7 =	sshll.u32 s5, $0x8;
	s8 =	sshrl.u32 s6, $0x1;
	s16 =	sshll.u32 s5, $0x12  }
0xb: {  	_ =	strace $0x80000047;
	s0 =	sadd.s32 s7, s0;
	s17 =	sadd.s32 s1, s16  }
0xc: {  	s15 =	sshll.u32 s5, $0xA;
	s0 =	sadd.s32 $0x400, s0;
	[dreg:$0x5] =	wrdreg s17  }
0xd: {  	s5 =	sadd.s32 $0x100, s2;
	s10 =	sadd.s32 $0x400, s17;
	[dreg:$0x4] =	wrdreg s0  }
0xe: {  	s6 =	ssub.s32 s6, s8;
	s19 =	sadd.s32 $0x800, s17;
	[dreg:$0x6] =	wrdreg s10  }
0xf: {  	s18 =	sand.u32 $0x1C00, s15;
	s20 =	sadd.s32 $0xC00, s17;
	[dreg:$0x7] =	wrdreg s19  }
0x10: {  	s7 =	sadd.s32 $0x200, s2;
	s21 =	sadd.s32 $0x1000, s17;
	[dreg:$0x8] =	wrdreg s20  }
0x11: {  	s8 =	sadd.s32 $0x300, s2;
	s22 =	sadd.s32 $0x1400, s17;
	[dreg:$0x9] =	wrdreg s21  }
0x12: {  	s15 =	simm.s32 $0xB;
	s23 =	sadd.s32 $0x1800, s17;
	[dreg:$0xa] =	wrdreg s22  }
0x13: {  	s24 =	sadd.s32 $0x1C00, s17;
	s25 =	sadd.s32 $0x3F400, s17;
	[dreg:$0xb] =	wrdreg s23  }
.Ltmp0:
0x14: {  	s6 =	smax.u32 s6, $0x1;
	[dreg:$0xc] =	wrdreg s24;
	(pc) =	sbr.rel .LBB2_1-.Ltmp0, $4  }
0x15: {  	v0 =	vmov s18;
	s18 =	simm.s32 $0xD;
	[dreg:$0xf] =	wrdreg s25;
	s0 =	sadd.s32 $0x3FC00, s17  }
0x16: {  	v1 =	vlaneseq.u32;
	[dreg:$0xe] =	wrdreg s6;
	s10 =	simm.s32 $0x3;
	s22 =	simm.s32 $0x8  }
0x17: {  	v2 =	vshrl.u32 v1, $0x3;
	s23 =	simm.s32 $0xC;
	[dreg:$0xd] =	wrdreg s0;
	s0 =	sadd.s32 s26, s1  }
0x18: {  	vm0 =	vmmov $0xffff;
	v1 =	vand.u32 $0x7, v1;
	v2 =	vmul.u32 $0x8, v2;
	s1 =	simm.s32 $0x1;
	s26 =	simm.s32 $0xE;
	s19 =	sadd.s32 s31, s0  }
.LBB2_6:
0x19: {  	_ =	swait.ge [sflag:s22], $0x2000  }
0x1a: {  	[sflag:s22] =	ssyncset.done $0x0  }
0x1b: {  	s24 =	simm.s32 $0x9;
	s0 =	rddreg [dreg:$0xd];
	[sflag:s22] =	ssyncadd.s32 $0xFFFFE000  }
0x1c: {  	[hbm4b:s0+s3] =	stream.linear.scatter [tilespmem:s30], [sflag:$0x10], $0x2000, $0x38;
	[tilespmem:$0x10800] =	vst v63  }
0x1d: {  	_ =	swait.ge [sflag:s24], $0x2000  }
0x1e: {  	[sflag:s24] =	ssyncset.done $0x0  }
0x1f: {  	s25 =	simm.s32 $0xA;
	[sflag:s24] =	ssyncadd.s32 $0xFFFFE000  }
0x20: {  	_ =	swait.ge [sflag:s25], $0x2000  }
0x21: {  	[sflag:s25] =	ssyncset.done $0x0  }
0x22: {  	[sflag:s25] =	ssyncadd.s32 $0xFFFFE000  }
0x23: {  	_ =	swait.ge [sflag:s15], $0x2000  }
0x24: {  	[sflag:s15] =	ssyncset.done $0x0  }
0x25: {  	[sflag:s15] =	ssyncadd.s32 $0xFFFFE000  }
0x26: {  	_ =	swait.ge [sflag:s23], $0x2000  }
0x27: {  	[sflag:s23] =	ssyncset.done $0x0  }
0x28: {  	[sflag:s23] =	ssyncadd.s32 $0xFFFFE000  }
0x29: {  	_ =	swait.ge [sflag:s18], $0x2000  }
0x2a: {  	[sflag:s18] =	ssyncset.done $0x0  }
0x2b: {  	[sflag:s18] =	ssyncadd.s32 $0xFFFFE000  }
0x2c: {  	_ =	swait.ge [sflag:s26], $0x2000  }
0x2d: {  	[sflag:s26] =	ssyncset.done $0x0  }
0x2e: {  	[sflag:s26] =	ssyncadd.s32 $0xFFFFE000  }
0x2f: {  	_ =	swait.ge [sflag:s28], $0x2000  }
0x30: {  	[sflag:s28] =	ssyncset.done $0x0  }
0x31: {  	[sflag:s28] =	ssyncadd.s32 $0xFFFFE000  }
0x32: {  	_ =	swait.ge [sflag:s29], $0x2000  }
0x33: {  	s4 =	rddreg [dreg:$0x10]  }
0x34: {  	s31 =	rddreg [dreg:$0xe];
	s4 =	sadd.s32 $0x1, s4  }
0x35: {  	p0 =	sne.s32 s4, s31  }
.Ltmp1:
0x36: {  	_ = 	snop;
	(pc) =	sbr.rel @!p0 .LBB2_7-.Ltmp1, $3  }
0x37: {  	_ =	sdelay $0x1  }
0x38: {  	[sflag:s29] =	ssyncset.done $0x0  }
0x39: {  	s30 =	simm.s32 $0xE800;
	[sflag:s29] =	ssyncadd.s32 $0xFFFFE000  }
.LBB2_1:
0x3a: {  	[dreg:$0x10] =	wrdreg s4  }
0x3b: {  	s0 =	rddreg [dreg:$0x4];
	s31 =	simm.s32 $0x11  }
0x3c: {  	[tilespmem:s3], [sflag:$0x11] =	stream.linear.gather [hbm4b:s0+s3], $0x800, $0x38;
	[tilespmem:$0x10800] =	vst v63  }
0x3d: {  	_ =	swait.ge [sflag:s31], $0x800  }
0x3e: {  	[sflag:s31] =	ssyncset.done $0x0  }
0x3f: {  	s20 =	simm.s32 $0x0;
	s21 =	simm.s32 $0x40;
	[sflag:s31] =	ssyncadd.s32 $0xFFFFF800  }
.LBB2_2:
0x40: {  	p0 =	sne.s32 s21, $0x1FC0;
	v3 =	vld [tilespmem:s20+$0x0];
	_ =	sdelay $0x1  }
.Ltmp2:
0x41: {  	(pc) =	sbr.rel @p0 .LBB2_2-.Ltmp2, $3  }
0x42: {  	_ =	sdelay $0x1  }
0x43: {  	v3 =	vadd.s32 v0, v3  }
0x44: {  	[tilespmem:s20+$0x0] =	vst v3;
	s20 =	sshra.s32 s21, $0x2;
	s21 =	sadd.s32 $0x40, s21  }
0x45: {  	v3 =	vld [tilespmem:s20+$0x0];
	_ =	sdelay $0x4  }
0x46: {  	v3 =	vadd.s32 v0, v3  }
0x47: {  	[tilespmem:s20+$0x0] =	vst v3  }
0x48: {  	v3 =	vld.msk [tilespmem:$0x0], $0xff;
	_ =	sdelay $0x4  }
0x49: {  	v4 =	vshll.u32 v3, $0x3  }
0x4a: {  	v3 =	vand.u32 $0x7, v3;
	v4 =	vand.u32 $0xFFFFFFC0, v4  }
0x4b: {  	v3 =	vor.u32 v3, v4  }
0x4c: {  	v3 =	vperm.xlane v3, v1;
	_ =	sdelay $0x1  }
0x4d: {  	v3 =	vadd.s32 v2, v3;
	_ =	sdelay $0x3  }
0x4e: {  	s21 =	simm.s32 $0x0;
	s17 =	simm.s32 $0x800  }
0x4f: {  	[tilespmem:s17], [sflag:$0x1] =	stream.indirect_vreg.gather [hbm4b:s2+s21], $0x80, v3, vm0, $0xb8;
	[tilespmem:$0x10800] =	vst v63  }
0x50: {  	s16 =	simm.s32 $0x1000  }
0x51: {  	[tilespmem:s16], [sflag:$0x1] =	stream.indirect_vreg.gather [hbm4b:s5+s21], $0x80, v3, vm0, $0xb8;
	[tilespmem:$0x10800] =	vst v63  }
0x52: {  	s25 =	simm.s32 $0x1800  }
0x53: {  	[tilespmem:s25], [sflag:$0x1] =	stream.indirect_vreg.gather [hbm4b:s7+s21], $0x80, v3, vm0, $0xb8;
	[tilespmem:$0x10800] =	vst v63  }
0x54: {  	s31 =	simm.s32 $0x2000  }
0x55: {  	[tilespmem:s31], [sflag:$0x1] =	stream.indirect_vreg.gather [hbm4b:s8+s21], $0x80, v3, vm0, $0xb8;
	[tilespmem:$0x10800] =	vst v63  }
0x56: {  	v3 =	vld.msk [tilespmem:$0x8], $0xff;
	_ =	sdelay $0x4  }
0x57: {  	v53 =	vshll.u32 v3, $0x3  }
0x58: {  	v3 =	vand.u32 $0x7, v3;
	v4 =	vand.u32 $0xFFFFFFC0, v53  }
0x59: {  	v3 =	vor.u32 v3, v4  }
0x5a: {  	v3 =	vperm.xlane v3, v1;
	_ =	sdelay $0x1  }
0x5b: {  	v3 =	vadd.s32 v2, v3;
	_ =	sdelay $0x3  }
0x5c: {  	s20 =	simm.s32 $0x2800  }
0x5d: {  	[tilespmem:s20], [sflag:$0x2] =	stream.indirect_vreg.gather [hbm4b:s2+s21], $0x80, v3, vm0, $0xb8;
	[tilespmem:$0x10800] =	vst v63  }
0x5e: {  	s0 =	simm.s32 $0x3000  }
0x5f: {  	[tilespmem:s0], [sflag:$0x2] =	stream.indirect_vreg.gather [hbm4b:s5+s21], $0x80, v3, vm0, $0xb8;
	[tilespmem:$0x10800] =	vst v63  }
0x60: {  	s4 =	simm.s32 $0x3800  }
0x61: {  	[tilespmem:s4], [sflag:$0x2] =	stream.indirect_vreg.gather [hbm4b:s7+s21], $0x80, v3, vm0, $0xb8;
	[tilespmem:$0x10800] =	vst v63  }
0x62: {  	s6 =	simm.s32 $0x4000  }
0x63: {  	[tilespmem:s6], [sflag:$0x2] =	stream.indirect_vreg.gather [hbm4b:s8+s21], $0x80, v3, vm0, $0xb8;
	[tilespmem:$0x10800] =	vst v63  }
0x64: {  	v3 =	vld.msk [tilespmem:$0x10], $0xff;
	_ =	sdelay $0x4  }
0x65: {  	v54 =	vshll.u32 v3, $0x3  }
0x66: {  	v3 =	vand.u32 $0x7, v3;
	v4 =	vand.u32 $0xFFFFFFC0, v54  }
0x67: {  	v3 =	vor.u32 v3, v4  }
0x68: {  	v3 =	vperm.xlane v3, v1;
	_ =	sdelay $0x1  }
0x69: {  	v3 =	vadd.s32 v2, v3;
	_ =	sdelay $0x3  }
0x6a: {  	s4 =	simm.s32 $0x4800  }
0x6b: {  	[tilespmem:s4], [sflag:$0x3] =	stream.indirect_vreg.gather [hbm4b:s2+s21], $0x80, v3, vm0, $0xb8;
	[tilespmem:$0x10800] =	vst v63  }
0x6c: {  	s12 =	simm.s32 $0x5000  }
0x6d: {  	[tilespmem:s12], [sflag:$0x3] =	stream.indirect_vreg.gather [hbm4b:s5+s21], $0x80, v3, vm0, $0xb8;
	[tilespmem:$0x10800] =	vst v63  }
0x6e: {  	s24 =	simm.s32 $0x5800  }
0x6f: {  	[tilespmem:s24], [sflag:$0x3] =	stream.indirect_vreg.gather [hbm4b:s7+s21], $0x80, v3, vm0, $0xb8;
	[tilespmem:$0x10800] =	vst v63  }
0x70: {  	s6 =	simm.s32 $0x6000  }
0x71: {  	[tilespmem:s6], [sflag:$0x3] =	stream.indirect_vreg.gather [hbm4b:s8+s21], $0x80, v3, vm0, $0xb8;
	[tilespmem:$0x10800] =	vst v63  }
0x72: {  	v3 =	vld.msk [tilespmem:$0x18], $0xff;
	_ =	sdelay $0x4  }
0x73: {  	v55 =	vshll.u32 v3, $0x3  }
0x74: {  	v3 =	vand.u32 $0x7, v3;
	v4 =	vand.u32 $0xFFFFFFC0, v55  }
0x75: {  	v3 =	vor.u32 v3, v4  }
0x76: {  	v3 =	vperm.xlane v3, v1;
	_ =	sdelay $0x1  }
0x77: {  	v3 =	vadd.s32 v2, v3;
	_ =	sdelay $0x3  }
0x78: {  	s12 =	simm.s32 $0x6800  }
0x79: {  	[tilespmem:s12], [sflag:$0x4] =	stream.indirect_vreg.gather [hbm4b:s2+s21], $0x80, v3, vm0, $0xb8;
	[tilespmem:$0x10800] =	vst v63  }
0x7a: {  	s24 =	simm.s32 $0x7000  }
0x7b: {  	[tilespmem:s24], [sflag:$0x4] =	stream.indirect_vreg.gather [hbm4b:s5+s21], $0x80, v3, vm0, $0xb8;
	[tilespmem:$0x10800] =	vst v63  }
0x7c: {  	s6 =	simm.s32 $0x7800  }
0x7d: {  	[tilespmem:s6], [sflag:$0x4] =	stream.indirect_vreg.gather [hbm4b:s7+s21], $0x80, v3, vm0, $0xb8;
	[tilespmem:$0x10800] =	vst v63  }
0x7e: {  	s12 =	simm.s32 $0x8000  }
0x7f: {  	[tilespmem:s12], [sflag:$0x4] =	stream.indirect_vreg.gather [hbm4b:s8+s21], $0x80, v3, vm0, $0xb8;
	[tilespmem:$0x10800] =	vst v63  }
0x80: {  	v3 =	vld.msk [tilespmem:$0x20], $0xff;
	_ =	sdelay $0x4  }
0x81: {  	v56 =	vshll.u32 v3, $0x3  }
0x82: {  	v3 =	vand.u32 $0x7, v3;
	v4 =	vand.u32 $0xFFFFFFC0, v56  }
0x83: {  	v3 =	vor.u32 v3, v4  }
0x84: {  	v3 =	vperm.xlane v3, v1;
	_ =	sdelay $0x1  }
0x85: {  	v3 =	vadd.s32 v2, v3;
	_ =	sdelay $0x3  }
0x86: {  	s12 =	simm.s32 $0x8800  }
0x87: {  	[tilespmem:s12], [sflag:$0x5] =	stream.indirect_vreg.gather [hbm4b:s2+s21], $0x80, v3, vm0, $0xb8;
	[tilespmem:$0x10800] =	vst v63  }
0x88: {  	s24 =	simm.s32 $0x9000  }
0x89: {  	[tilespmem:s24], [sflag:$0x5] =	stream.indirect_vreg.gather [hbm4b:s5+s21], $0x80, v3, vm0, $0xb8;
	[tilespmem:$0x10800] =	vst v63  }
0x8a: {  	s6 =	simm.s32 $0x9800  }
0x8b: {  	[tilespmem:s6], [sflag:$0x5] =	stream.indirect_vreg.gather [hbm4b:s7+s21], $0x80, v3, vm0, $0xb8;
	[tilespmem:$0x10800] =	vst v63  }
0x8c: {  	s24 =	simm.s32 $0xA000  }
0x8d: {  	[tilespmem:s24], [sflag:$0x5] =	stream.indirect_vreg.gather [hbm4b:s8+s21], $0x80, v3, vm0, $0xb8;
	[tilespmem:$0x10800] =	vst v63  }
0x8e: {  	v3 =	vld.msk [tilespmem:$0x28], $0xff;
	_ =	sdelay $0x4  }
0x8f: {  	v57 =	vshll.u32 v3, $0x3  }
0x90: {  	v3 =	vand.u32 $0x7, v3;
	v4 =	vand.u32 $0xFFFFFFC0, v57  }
0x91: {  	v3 =	vor.u32 v3, v4  }
0x92: {  	v3 =	vperm.xlane v3, v1;
	_ =	sdelay $0x1  }
0x93: {  	v3 =	vadd.s32 v2, v3;
	_ =	sdelay $0x3  }
0x94: {  	s24 =	simm.s32 $0xA800  }
0x95: {  	[tilespmem:s24], [sflag:$0x6] =	stream.indirect_vreg.gather [hbm4b:s2+s21], $0x80, v3, vm0, $0xb8;
	[tilespmem:$0x10800] =	vst v63  }
0x96: {  	s6 =	simm.s32 $0xB000  }
0x97: {  	[tilespmem:s6], [sflag:$0x6] =	stream.indirect_vreg.gather [hbm4b:s5+s21], $0x80, v3, vm0, $0xb8;
	[tilespmem:$0x10800] =	vst v63  }
0x98: {  	s6 =	simm.s32 $0xB800  }
0x99: {  	[tilespmem:s6], [sflag:$0x6] =	stream.indirect_vreg.gather [hbm4b:s7+s21], $0x80, v3, vm0, $0xb8;
	[tilespmem:$0x10800] =	vst v63  }
0x9a: {  	s6 =	simm.s32 $0xC000  }
0x9b: {  	[tilespmem:s6], [sflag:$0x6] =	stream.indirect_vreg.gather [hbm4b:s8+s21], $0x80, v3, vm0, $0xb8;
	[tilespmem:$0x10800] =	vst v63  }
0x9c: {  	v3 =	vld.msk [tilespmem:$0x30], $0xff;
	_ =	sdelay $0x4  }
0x9d: {  	v58 =	vshll.u32 v3, $0x3  }
0x9e: {  	v3 =	vand.u32 $0x7, v3;
	v4 =	vand.u32 $0xFFFFFFC0, v58  }
0x9f: {  	v3 =	vor.u32 v3, v4  }
0xa0: {  	v3 =	vperm.xlane v3, v1;
	_ =	sdelay $0x1  }
0xa1: {  	v3 =	vadd.s32 v2, v3;
	_ =	sdelay $0x3  }
0xa2: {  	s6 =	simm.s32 $0xC800  }
0xa3: {  	[tilespmem:s6], [sflag:$0x7] =	stream.indirect_vreg.gather [hbm4b:s2+s21], $0x80, v3, vm0, $0xb8;
	[tilespmem:$0x10800] =	vst v63  }
0xa4: {  	s0 =	simm.s32 $0xD000  }
0xa5: {  	[tilespmem:s0], [sflag:$0x7] =	stream.indirect_vreg.gather [hbm4b:s5+s21], $0x80, v3, vm0, $0xb8;
	[tilespmem:$0x10800] =	vst v63  }
0xa6: {  	s0 =	simm.s32 $0xD800  }
0xa7: {  	[tilespmem:s0], [sflag:$0x7] =	stream.indirect_vreg.gather [hbm4b:s7+s21], $0x80, v3, vm0, $0xb8;
	[tilespmem:$0x10800] =	vst v63  }
0xa8: {  	s0 =	simm.s32 $0xE000  }
0xa9: {  	[tilespmem:s0], [sflag:$0x7] =	stream.indirect_vreg.gather [hbm4b:s8+s21], $0x80, v3, vm0, $0xb8;
	[tilespmem:$0x10800] =	vst v63  }
0xaa: {  	v3 =	vld.msk [tilespmem:$0x38], $0xff;
	_ =	sdelay $0x4  }
0xab: {  	v59 =	vshll.u32 v3, $0x3  }
0xac: {  	v3 =	vand.u32 $0x7, v3;
	v4 =	vand.u32 $0xFFFFFFC0, v59  }
0xad: {  	v3 =	vor.u32 v3, v4  }
0xae: {  	v3 =	vperm.xlane v3, v1;
	_ =	sdelay $0x1  }
0xaf: {  	v3 =	vadd.s32 v2, v3;
	_ =	sdelay $0x4  }
0xb0: {  	[tilespmem:s30], [sflag:$0x8] =	stream.indirect_vreg.gather [hbm4b:s2+s21], $0x80, v3, vm0, $0xb8;
	[tilespmem:$0x10800] =	vst v63  }
0xb1: {  	s0 =	simm.s32 $0xF000  }
0xb2: {  	[tilespmem:s0], [sflag:$0x8] =	stream.indirect_vreg.gather [hbm4b:s5+s21], $0x80, v3, vm0, $0xb8;
	[tilespmem:$0x10800] =	vst v63  }
0xb3: {  	s0 =	simm.s32 $0xF800  }
0xb4: {  	[tilespmem:s0], [sflag:$0x8] =	stream.indirect_vreg.gather [hbm4b:s7+s21], $0x80, v3, vm0, $0xb8;
	[tilespmem:$0x10800] =	vst v63  }
0xb5: {  	s0 =	simm.s32 $0x10000  }
0xb6: {  	[tilespmem:s0], [sflag:$0x8] =	stream.indirect_vreg.gather [hbm4b:s8+s21], $0x80, v3, vm0, $0xb8;
	[tilespmem:$0x10800] =	vst v63  }
0xb7: {  	_ =	swait.ge [sflag:s1], $0x2000  }
0xb8: {  	[sflag:s1] =	ssyncset.done $0x0  }
0xb9: {  	s0 =	rddreg [dreg:$0x5];
	[sflag:s1] =	ssyncadd.s32 $0xFFFFE000  }
0xba: {  	[hbm4b:s0+s21] =	stream.linear.scatter [tilespmem:s17], [sflag:$0x9], $0x2000, $0x38;
	[tilespmem:$0x10800] =	vst v63  }
0xbb: {  	_ =	swait.ge [sflag:s9], $0x2000  }
0xbc: {  	[sflag:s9] =	ssyncset.done $0x0  }
0xbd: {  	s0 =	rddreg [dreg:$0x6];
	[sflag:s9] =	ssyncadd.s32 $0xFFFFE000  }
0xbe: {  	[hbm4b:s0+s21] =	stream.linear.scatter [tilespmem:s20], [sflag:$0xA], $0x2000, $0x38;
	[tilespmem:$0x10800] =	vst v63  }
0xbf: {  	_ =	swait.ge [sflag:s10], $0x2000  }
0xc0: {  	[sflag:s10] =	ssyncset.done $0x0  }
0xc1: {  	s0 =	rddreg [dreg:$0x7];
	[sflag:s10] =	ssyncadd.s32 $0xFFFFE000  }
0xc2: {  	[hbm4b:s0+s21] =	stream.linear.scatter [tilespmem:s4], [sflag:$0xB], $0x2000, $0x38;
	[tilespmem:$0x10800] =	vst v63  }
0xc3: {  	_ =	swait.ge [sflag:s11], $0x2000  }
0xc4: {  	[sflag:s11] =	ssyncset.done $0x0  }
0xc5: {  	s4 =	simm.s32 $0x6800;
	s0 =	rddreg [dreg:$0x8];
	[sflag:s11] =	ssyncadd.s32 $0xFFFFE000  }
0xc6: {  	[hbm4b:s0+s21] =	stream.linear.scatter [tilespmem:s4], [sflag:$0xC], $0x2000, $0x38;
	[tilespmem:$0x10800] =	vst v63  }
0xc7: {  	_ =	swait.ge [sflag:s13], $0x2000  }
0xc8: {  	[sflag:s13] =	ssyncset.done $0x0  }
0xc9: {  	s0 =	rddreg [dreg:$0x9];
	[sflag:s13] =	ssyncadd.s32 $0xFFFFE000  }
0xca: {  	[hbm4b:s0+s21] =	stream.linear.scatter [tilespmem:s12], [sflag:$0xD], $0x2000, $0x38;
	[tilespmem:$0x10800] =	vst v63  }
0xcb: {  	s12 =	simm.s32 $0x9  }
0xcc: {  	_ =	swait.ge [sflag:s12], $0x2000  }
0xcd: {  	[sflag:s12] =	ssyncset.done $0x0  }
0xce: {  	[sflag:s12] =	ssyncadd.s32 $0xFFFFE000  }
0xcf: {  	v3 =	vld.msk [tilespmem:$0x40], $0xff;
	_ =	sdelay $0x4  }
0xd0: {  	v60 =	vshll.u32 v3, $0x3  }
0xd1: {  	v3 =	vand.u32 $0x7, v3;
	v4 =	vand.u32 $0xFFFFFFC0, v60  }
0xd2: {  	v3 =	vor.u32 v3, v4  }
0xd3: {  	v3 =	vperm.xlane v3, v1;
	_ =	sdelay $0x1  }
0xd4: {  	v3 =	vadd.s32 v2, v3;
	_ =	sdelay $0x4  }
0xd5: {  	[tilespmem:s17], [sflag:$0x1] =	stream.indirect_vreg.gather [hbm4b:s2+s21], $0x80, v3, vm0, $0xb8;
	[tilespmem:$0x10800] =	vst v63  }
0xd6: {  	_ = 	snop  }
0xd7: {  	[tilespmem:s16], [sflag:$0x1] =	stream.indirect_vreg.gather [hbm4b:s5+s21], $0x80, v3, vm0, $0xb8;
	[tilespmem:$0x10800] =	vst v63  }
0xd8: {  	_ = 	snop  }
0xd9: {  	[tilespmem:s25], [sflag:$0x1] =	stream.indirect_vreg.gather [hbm4b:s7+s21], $0x80, v3, vm0, $0xb8;
	[tilespmem:$0x10800] =	vst v63  }
0xda: {  	s17 =	simm.s32 $0x6  }
0xdb: {  	[tilespmem:s31], [sflag:$0x1] =	stream.indirect_vreg.gather [hbm4b:s8+s21], $0x80, v3, vm0, $0xb8;
	[tilespmem:$0x10800] =	vst v63  }
0xdc: {  	_ =	swait.ge [sflag:s17], $0x2000  }
0xdd: {  	[sflag:s17] =	ssyncset.done $0x0  }
0xde: {  	s12 =	simm.s32 $0xA;
	s31 =	rddreg [dreg:$0xa];
	[sflag:s17] =	ssyncadd.s32 $0xFFFFE000  }
0xdf: {  	[hbm4b:s31+s21] =	stream.linear.scatter [tilespmem:s24], [sflag:$0xE], $0x2000, $0x38;
	[tilespmem:$0x10800] =	vst v63  }
0xe0: {  	_ =	swait.ge [sflag:s12], $0x2000  }
0xe1: {  	[sflag:s12] =	ssyncset.done $0x0  }
0xe2: {  	[sflag:s12] =	ssyncadd.s32 $0xFFFFE000  }
0xe3: {  	v3 =	vld.msk [tilespmem:$0x48], $0xff;
	_ =	sdelay $0x4  }
0xe4: {  	v61 =	vshll.u32 v3, $0x3  }
0xe5: {  	v3 =	vand.u32 $0x7, v3;
	v4 =	vand.u32 $0xFFFFFFC0, v61  }
0xe6: {  	v3 =	vor.u32 v3, v4  }
0xe7: {  	v3 =	vperm.xlane v3, v1;
	_ =	sdelay $0x1  }
0xe8: {  	v3 =	vadd.s32 v2, v3;
	_ =	sdelay $0x4  }
0xe9: {  	[tilespmem:s20], [sflag:$0x2] =	stream.indirect_vreg.gather [hbm4b:s2+s21], $0x80, v3, vm0, $0xb8;
	[tilespmem:$0x10800] =	vst v63  }
0xea: {  	s16 =	simm.s32 $0x3000  }
0xeb: {  	[tilespmem:s16], [sflag:$0x2] =	stream.indirect_vreg.gather [hbm4b:s5+s21], $0x80, v3, vm0, $0xb8;
	[tilespmem:$0x10800] =	vst v63  }
0xec: {  	s17 =	simm.s32 $0x3800  }
0xed: {  	[tilespmem:s17], [sflag:$0x2] =	stream.indirect_vreg.gather [hbm4b:s7+s21], $0x80, v3, vm0, $0xb8;
	[tilespmem:$0x10800] =	vst v63  }
0xee: {  	s20 =	simm.s32 $0x4000  }
0xef: {  	[tilespmem:s20], [sflag:$0x2] =	stream.indirect_vreg.gather [hbm4b:s8+s21], $0x80, v3, vm0, $0xb8;
	[tilespmem:$0x10800] =	vst v63  }
0xf0: {  	_ =	swait.ge [sflag:s14], $0x2000  }
0xf1: {  	[sflag:s14] =	ssyncset.done $0x0  }
0xf2: {  	s24 =	rddreg [dreg:$0xb];
	[sflag:s14] =	ssyncadd.s32 $0xFFFFE000  }
0xf3: {  	[hbm4b:s24+s21] =	stream.linear.scatter [tilespmem:s6], [sflag:$0xF], $0x2000, $0x38;
	[tilespmem:$0x10800] =	vst v63  }
0xf4: {  	_ =	swait.ge [sflag:s15], $0x2000  }
0xf5: {  	[sflag:s15] =	ssyncset.done $0x0  }
0xf6: {  	[sflag:s15] =	ssyncadd.s32 $0xFFFFE000  }
0xf7: {  	v3 =	vld.msk [tilespmem:$0x50], $0xff;
	_ =	sdelay $0x4  }
0xf8: {  	v62 =	vshll.u32 v3, $0x3  }
0xf9: {  	v3 =	vand.u32 $0x7, v3;
	v4 =	vand.u32 $0xFFFFFFC0, v62  }
0xfa: {  	v3 =	vor.u32 v3, v4  }
0xfb: {  	v3 =	vperm.xlane v3, v1;
	_ =	sdelay $0x1  }
0xfc: {  	v3 =	vadd.s32 v2, v3;
	_ =	sdelay $0x3  }
0xfd: {  	s25 =	simm.s32 $0x4800  }
0xfe: {  	[tilespmem:s25], [sflag:$0x3] =	stream.indirect_vreg.gather [hbm4b:s2+s21], $0x80, v3, vm0, $0xb8;
	[tilespmem:$0x10800] =	vst v63  }
0xff: {  	s31 =	simm.s32 $0x5000  }
0x100: {  	[tilespmem:s31], [sflag:$0x3] =	stream.indirect_vreg.gather [hbm4b:s5+s21], $0x80, v3, vm0, $0xb8;
	[tilespmem:$0x10800] =	vst v63  }
0x101: {  	s6 =	simm.s32 $0x5800  }
0x102: {  	[tilespmem:s6], [sflag:$0x3] =	stream.indirect_vreg.gather [hbm4b:s7+s21], $0x80, v3, vm0, $0xb8;
	[tilespmem:$0x10800] =	vst v63  }
0x103: {  	s12 =	simm.s32 $0x6000  }
0x104: {  	[tilespmem:s12], [sflag:$0x3] =	stream.indirect_vreg.gather [hbm4b:s8+s21], $0x80, v3, vm0, $0xb8;
	[tilespmem:$0x10800] =	vst v63  }
0x105: {  	_ =	swait.ge [sflag:s22], $0x2000  }
0x106: {  	[sflag:s22] =	ssyncset.done $0x0  }
0x107: {  	s16 =	rddreg [dreg:$0xc];
	[sflag:s22] =	ssyncadd.s32 $0xFFFFE000  }
0x108: {  	[hbm4b:s16+s21] =	stream.linear.scatter [tilespmem:s30], [sflag:$0x10], $0x2000, $0x38;
	[tilespmem:$0x10800] =	vst v63  }
0x109: {  	_ =	swait.ge [sflag:s23], $0x2000  }
0x10a: {  	[sflag:s23] =	ssyncset.done $0x0  }
0x10b: {  	[sflag:s23] =	ssyncadd.s32 $0xFFFFE000  }
0x10c: {  	v3 =	vld.msk [tilespmem:$0x58], $0xff;
	_ =	sdelay $0x4  }
0x10d: {  	v63 =	vshll.u32 v3, $0x3  }
0x10e: {  	v3 =	vand.u32 $0x7, v3;
	v4 =	vand.u32 $0xFFFFFFC0, v63  }
0x10f: {  	v3 =	vor.u32 v3, v4  }
0x110: {  	v3 =	vperm.xlane v3, v1;
	_ =	sdelay $0x1  }
0x111: {  	v3 =	vadd.s32 v2, v3;
	_ =	sdelay $0x4  }
0x112: {  	[tilespmem:s4], [sflag:$0x4] =	stream.indirect_vreg.gather [hbm4b:s2+s21], $0x80, v3, vm0, $0xb8;
	[tilespmem:$0x10800] =	vst v63  }
0x113: {  	s17 =	simm.s32 $0x7000  }
0x114: {  	[tilespmem:s17], [sflag:$0x4] =	stream.indirect_vreg.gather [hbm4b:s5+s21], $0x80, v3, vm0, $0xb8;
	[tilespmem:$0x10800] =	vst v63  }
0x115: {  	s20 =	simm.s32 $0x7800;
	s24 =	simm.s32 $0x7800;
	s31 =	simm.s32 $0x8000  }
0x116: {  	[tilespmem:s20], [sflag:$0x4] =	stream.indirect_vreg.gather [hbm4b:s7+s21], $0x80, v3, vm0, $0xb8;
	[tilespmem:$0x10800] =	vst v63  }
0x117: {  	s12 =	simm.s32 $0x8000;
	s30 =	simm.s32 $0xE800;
	s20 =	simm.s32 $0x98  }
0x118: {  	[tilespmem:s31], [sflag:$0x4] =	stream.indirect_vreg.gather [hbm4b:s8+s21], $0x80, v3, vm0, $0xb8;
	[tilespmem:$0x10800] =	vst v63  }
.LBB2_4:
0x119: {  	_ =	swait.ge [sflag:s1], $0x2000  }
0x11a: {  	s31 =	sadd.s32 s21, s19;
	[sflag:s1] =	ssyncset.done $0x0  }
0x11b: {  	s17 =	simm.s32 $0x800;
	s0 =	sadd.s32 $0x2000, s31;
	[sflag:s1] =	ssyncadd.s32 $0xFFFFE000  }
0x11c: {  	[hbm4b:s0+s3] =	stream.linear.scatter [tilespmem:s17], [sflag:$0x9], $0x2000, $0x38;
	[tilespmem:$0x10800] =	vst v63  }
0x11d: {  	_ =	swait.ge [sflag:s18], $0x2000  }
0x11e: {  	[sflag:s18] =	ssyncset.done $0x0  }
0x11f: {  	[sflag:s18] =	ssyncadd.s32 $0xFFFFE000  }
0x120: {  	v3 =	vld.msk [tilespmem:s20+$0xFFFFFFC8], $0xff;
	_ =	sdelay $0x4  }
0x121: {  	v4 =	vshll.u32 v3, $0x3  }
0x122: {  	v3 =	vand.u32 $0x7, v3;
	v4 =	vand.u32 $0xFFFFFFC0, v4  }
0x123: {  	v3 =	vor.u32 v3, v4  }
0x124: {  	v3 =	vperm.xlane v3, v1;
	_ =	sdelay $0x1  }
0x125: {  	v3 =	vadd.s32 v2, v3;
	_ =	sdelay $0x3  }
0x126: {  	s16 =	simm.s32 $0x8800  }
0x127: {  	[tilespmem:s16], [sflag:$0x5] =	stream.indirect_vreg.gather [hbm4b:s2+s3], $0x80, v3, vm0, $0xb8;
	[tilespmem:$0x10800] =	vst v63  }
0x128: {  	s6 =	simm.s32 $0x9000  }
0x129: {  	[tilespmem:s6], [sflag:$0x5] =	stream.indirect_vreg.gather [hbm4b:s5+s3], $0x80, v3, vm0, $0xb8;
	[tilespmem:$0x10800] =	vst v63  }
0x12a: {  	s17 =	simm.s32 $0x9800  }
0x12b: {  	[tilespmem:s17], [sflag:$0x5] =	stream.indirect_vreg.gather [hbm4b:s7+s3], $0x80, v3, vm0, $0xb8;
	[tilespmem:$0x10800] =	vst v63  }
0x12c: {  	s6 =	simm.s32 $0xA000  }
0x12d: {  	[tilespmem:s6], [sflag:$0x5] =	stream.indirect_vreg.gather [hbm4b:s8+s3], $0x80, v3, vm0, $0xb8;
	[tilespmem:$0x10800] =	vst v63  }
0x12e: {  	_ =	swait.ge [sflag:s9], $0x2000  }
0x12f: {  	[sflag:s9] =	ssyncset.done $0x0  }
0x130: {  	s17 =	sadd.s32 $0x2400, s31;
	s6 =	simm.s32 $0x2800;
	[sflag:s9] =	ssyncadd.s32 $0xFFFFE000  }
0x131: {  	[hbm4b:s17+s3] =	stream.linear.scatter [tilespmem:s6], [sflag:$0xA], $0x2000, $0x38;
	[tilespmem:$0x10800] =	vst v63  }
0x132: {  	_ =	swait.ge [sflag:s26], $0x2000  }
0x133: {  	[sflag:s26] =	ssyncset.done $0x0  }
0x134: {  	[sflag:s26] =	ssyncadd.s32 $0xFFFFE000  }
0x135: {  	v3 =	vld.msk [tilespmem:s20+$0xFFFFFFD0], $0xff;
	_ =	sdelay $0x4  }
0x136: {  	v61 =	vshll.u32 v3, $0x3  }
0x137: {  	v3 =	vand.u32 $0x7, v3;
	v4 =	vand.u32 $0xFFFFFFC0, v61  }
0x138: {  	v3 =	vor.u32 v3, v4  }
0x139: {  	v3 =	vperm.xlane v3, v1;
	_ =	sdelay $0x1  }
0x13a: {  	v3 =	vadd.s32 v2, v3;
	_ =	sdelay $0x3  }
0x13b: {  	s6 =	simm.s32 $0xA800  }
0x13c: {  	[tilespmem:s6], [sflag:$0x6] =	stream.indirect_vreg.gather [hbm4b:s2+s3], $0x80, v3, vm0, $0xb8;
	[tilespmem:$0x10800] =	vst v63  }
0x13d: {  	s17 =	simm.s32 $0xB000  }
0x13e: {  	[tilespmem:s17], [sflag:$0x6] =	stream.indirect_vreg.gather [hbm4b:s5+s3], $0x80, v3, vm0, $0xb8;
	[tilespmem:$0x10800] =	vst v63  }
0x13f: {  	s6 =	simm.s32 $0xB800  }
0x140: {  	[tilespmem:s6], [sflag:$0x6] =	stream.indirect_vreg.gather [hbm4b:s7+s3], $0x80, v3, vm0, $0xb8;
	[tilespmem:$0x10800] =	vst v63  }
0x141: {  	s17 =	simm.s32 $0xC000  }
0x142: {  	[tilespmem:s17], [sflag:$0x6] =	stream.indirect_vreg.gather [hbm4b:s8+s3], $0x80, v3, vm0, $0xb8;
	[tilespmem:$0x10800] =	vst v63  }
0x143: {  	_ =	swait.ge [sflag:s10], $0x2000  }
0x144: {  	[sflag:s10] =	ssyncset.done $0x0  }
0x145: {  	s6 =	sadd.s32 $0x2800, s31;
	[sflag:s10] =	ssyncadd.s32 $0xFFFFE000  }
0x146: {  	[hbm4b:s6+s3] =	stream.linear.scatter [tilespmem:s25], [sflag:$0xB], $0x2000, $0x38;
	[tilespmem:$0x10800] =	vst v63  }
0x147: {  	_ =	swait.ge [sflag:s28], $0x2000  }
0x148: {  	[sflag:s28] =	ssyncset.done $0x0  }
0x149: {  	[sflag:s28] =	ssyncadd.s32 $0xFFFFE000  }
0x14a: {  	v3 =	vld.msk [tilespmem:s20+$0xFFFFFFD8], $0xff;
	_ =	sdelay $0x4  }
0x14b: {  	v62 =	vshll.u32 v3, $0x3  }
0x14c: {  	v3 =	vand.u32 $0x7, v3;
	v4 =	vand.u32 $0xFFFFFFC0, v62  }
0x14d: {  	v3 =	vor.u32 v3, v4  }
0x14e: {  	v3 =	vperm.xlane v3, v1;
	_ =	sdelay $0x1  }
0x14f: {  	v3 =	vadd.s32 v2, v3;
	_ =	sdelay $0x3  }
0x150: {  	s6 =	simm.s32 $0xC800  }
0x151: {  	[tilespmem:s6], [sflag:$0x7] =	stream.indirect_vreg.gather [hbm4b:s2+s3], $0x80, v3, vm0, $0xb8;
	[tilespmem:$0x10800] =	vst v63  }
0x152: {  	s17 =	simm.s32 $0xD000  }
0x153: {  	[tilespmem:s17], [sflag:$0x7] =	stream.indirect_vreg.gather [hbm4b:s5+s3], $0x80, v3, vm0, $0xb8;
	[tilespmem:$0x10800] =	vst v63  }
0x154: {  	s25 =	simm.s32 $0xD800  }
0x155: {  	[tilespmem:s25], [sflag:$0x7] =	stream.indirect_vreg.gather [hbm4b:s7+s3], $0x80, v3, vm0, $0xb8;
	[tilespmem:$0x10800] =	vst v63  }
0x156: {  	s17 =	simm.s32 $0xE000  }
0x157: {  	[tilespmem:s17], [sflag:$0x7] =	stream.indirect_vreg.gather [hbm4b:s8+s3], $0x80, v3, vm0, $0xb8;
	[tilespmem:$0x10800] =	vst v63  }
0x158: {  	_ =	swait.ge [sflag:s11], $0x2000  }
0x159: {  	[sflag:s11] =	ssyncset.done $0x0  }
0x15a: {  	s25 =	sadd.s32 $0x2C00, s31;
	[sflag:s11] =	ssyncadd.s32 $0xFFFFE000  }
0x15b: {  	[hbm4b:s25+s3] =	stream.linear.scatter [tilespmem:s4], [sflag:$0xC], $0x2000, $0x38;
	[tilespmem:$0x10800] =	vst v63  }
0x15c: {  	_ =	swait.ge [sflag:s29], $0x2000  }
0x15d: {  	[sflag:s29] =	ssyncset.done $0x0  }
0x15e: {  	[sflag:s29] =	ssyncadd.s32 $0xFFFFE000  }
0x15f: {  	v3 =	vld.msk [tilespmem:s20+$0xFFFFFFE0], $0xff;
	_ =	sdelay $0x4  }
0x160: {  	v63 =	vshll.u32 v3, $0x3  }
0x161: {  	v3 =	vand.u32 $0x7, v3;
	v4 =	vand.u32 $0xFFFFFFC0, v63  }
0x162: {  	v3 =	vor.u32 v3, v4  }
0x163: {  	v3 =	vperm.xlane v3, v1;
	_ =	sdelay $0x1  }
0x164: {  	v3 =	vadd.s32 v2, v3;
	_ =	sdelay $0x4  }
0x165: {  	[tilespmem:s30], [sflag:$0x8] =	stream.indirect_vreg.gather [hbm4b:s2+s3], $0x80, v3, vm0, $0xb8;
	[tilespmem:$0x10800] =	vst v63  }
0x166: {  	s17 =	simm.s32 $0xF000  }
0x167: {  	[tilespmem:s17], [sflag:$0x8] =	stream.indirect_vreg.gather [hbm4b:s5+s3], $0x80, v3, vm0, $0xb8;
	[tilespmem:$0x10800] =	vst v63  }
0x168: {  	s25 =	simm.s32 $0xF800  }
0x169: {  	[tilespmem:s25], [sflag:$0x8] =	stream.indirect_vreg.gather [hbm4b:s7+s3], $0x80, v3, vm0, $0xb8;
	[tilespmem:$0x10800] =	vst v63  }
0x16a: {  	s4 =	simm.s32 $0x10000  }
0x16b: {  	[tilespmem:s4], [sflag:$0x8] =	stream.indirect_vreg.gather [hbm4b:s8+s3], $0x80, v3, vm0, $0xb8;
	[tilespmem:$0x10800] =	vst v63  }
0x16c: {  	_ =	swait.ge [sflag:s13], $0x2000  }
0x16d: {  	p0 =	seq.s32 s21, $0x3C000;
	[sflag:s13] =	ssyncset.done $0x0  }
0x16e: {  	s0 =	simm.s32 @p0 $0x6;
	s17 =	sadd.s32 $0x3000, s31;
	[sflag:s13] =	ssyncadd.s32 $0xFFFFE000  }
0x16f: {  	[hbm4b:s17+s3] =	stream.linear.scatter [tilespmem:s16], [sflag:$0xD], $0x2000, $0x38;
	[tilespmem:$0x10800] =	vst v63  }
0x170: {  	_ =	swait.ge @p0 [sflag:s0], $0x2000  }
0x171: {  	s25 =	simm.s32 @p0 $0xA800;
	[sflag:s0] =	ssyncset.done @p0 $0x0  }
0x172: {  	s17 =	rddreg [dreg:$0xf];
	[sflag:s0] =	ssyncadd.s32 @p0 $0xFFFFE000;
	s0 =	simm.s32 @p0 $0x0  }
0x173: {  	[hbm4b:s17+s0] =	stream.linear.scatter @p0 [tilespmem:s25], [sflag:$0xE], $0x2000, $0x38;
	[tilespmem:$0x10800] =	vst v63  }
0x174: {  	s0 =	simm.s32 @!p0 $0x9  }
0x175: {  	_ =	swait.ge @!p0 [sflag:s0], $0x2000  }
0x176: {  	[sflag:s0] =	ssyncset.done @!p0 $0x0  }
0x177: {  	[sflag:s0] =	ssyncadd.s32 @!p0 $0xFFFFE000  }
0x178: {  	v3 =	vld.msk @!p0 [tilespmem:s20+$0xFFFFFFE8], $0xff;
	_ =	sdelay $0x4  }
0x179: {  	v4 =	vshll.u32 @!p0 v3, $0x3  }
0x17a: {  	v5 =	vlaneseq.u32 @!p0;
	v3 =	vand.u32 @!p0 $0x7, v3;
	v4 =	vand.u32 @!p0 $0xFFFFFFC0, v4  }
0x17b: {  	v3 =	vor.u32 @!p0 v3, v4;
	v4 =	vand.u32 @!p0 $0x7, v5;
	v5 =	vshrl.u32 @!p0 v5, $0x3  }
0x17c: {  	v3 =	vperm.xlane @!p0 v3, v4;
	v5 =	vmul.u32 @!p0 $0x8, v5;
	_ =	sdelay $0x1  }
0x17d: {  	v3 =	vadd.s32 @!p0 v5, v3;
	_ =	sdelay $0x3  }
0x17e: {  	vm1 =	vmmov @!p0 $0xffff;
	s25 =	simm.s32 @!p0 $0x800;
	s0 =	simm.s32 @!p0 $0x0  }
0x17f: {  	[tilespmem:s25], [sflag:$0x1] =	stream.indirect_vreg.gather @!p0 [hbm4b:s2+s0], $0x80, v3, vm1, $0xb8;
	[tilespmem:$0x10800] =	vst v63  }
0x180: {  	s25 =	simm.s32 @!p0 $0x1000  }
0x181: {  	[tilespmem:s25], [sflag:$0x1] =	stream.indirect_vreg.gather @!p0 [hbm4b:s5+s0], $0x80, v3, vm1, $0xb8;
	[tilespmem:$0x10800] =	vst v63  }
0x182: {  	s25 =	simm.s32 @!p0 $0x1800  }
0x183: {  	[tilespmem:s25], [sflag:$0x1] =	stream.indirect_vreg.gather @!p0 [hbm4b:s7+s0], $0x80, v3, vm1, $0xb8;
	[tilespmem:$0x10800] =	vst v63  }
0x184: {  	s25 =	simm.s32 @!p0 $0x2000  }
0x185: {  	[tilespmem:s25], [sflag:$0x1] =	stream.indirect_vreg.gather @!p0 [hbm4b:s8+s0], $0x80, v3, vm1, $0xb8;
	[tilespmem:$0x10800] =	vst v63  }
0x186: {  	s25 =	simm.s32 @!p0 $0x6  }
0x187: {  	_ =	swait.ge @!p0 [sflag:s25], $0x2000  }
0x188: {  	s17 =	sadd.s32 @!p0 s21, s19;
	[sflag:s25] =	ssyncset.done @!p0 $0x0  }
0x189: {  	s17 =	sadd.s32 @!p0 $0x3400, s17;
	[sflag:s25] =	ssyncadd.s32 @!p0 $0xFFFFE000;
	s25 =	simm.s32 @!p0 $0xA800  }
0x18a: {  	[hbm4b:s17+s0] =	stream.linear.scatter @!p0 [tilespmem:s25], [sflag:$0xE], $0x2000, $0x38;
	[tilespmem:$0x10800] =	vst v63  }
0x18b: {  	s17 =	simm.s32 @!p0 $0xA  }
0x18c: {  	_ =	swait.ge @!p0 [sflag:s17], $0x2000  }
0x18d: {  	[sflag:s17] =	ssyncset.done @!p0 $0x0  }
0x18e: {  	[sflag:s17] =	ssyncadd.s32 @!p0 $0xFFFFE000  }
0x18f: {  	v3 =	vld.msk @!p0 [tilespmem:s20+$0xFFFFFFF0], $0xff;
	_ =	sdelay $0x4  }
0x190: {  	v6 =	vshll.u32 @!p0 v3, $0x3  }
0x191: {  	v3 =	vand.u32 @!p0 $0x7, v3;
	v6 =	vand.u32 @!p0 $0xFFFFFFC0, v6  }
0x192: {  	v3 =	vor.u32 @!p0 v3, v6  }
0x193: {  	v3 =	vperm.xlane @!p0 v3, v4;
	_ =	sdelay $0x1  }
0x194: {  	v3 =	vadd.s32 @!p0 v5, v3;
	_ =	sdelay $0x3  }
0x195: {  	s17 =	simm.s32 @!p0 $0x2800  }
0x196: {  	[tilespmem:s17], [sflag:$0x2] =	stream.indirect_vreg.gather @!p0 [hbm4b:s2+s0], $0x80, v3, vm1, $0xb8;
	[tilespmem:$0x10800] =	vst v63  }
0x197: {  	s17 =	simm.s32 @!p0 $0x3000  }
0x198: {  	[tilespmem:s17], [sflag:$0x2] =	stream.indirect_vreg.gather @!p0 [hbm4b:s5+s0], $0x80, v3, vm1, $0xb8;
	[tilespmem:$0x10800] =	vst v63  }
0x199: {  	s17 =	simm.s32 @!p0 $0x3800  }
0x19a: {  	[tilespmem:s17], [sflag:$0x2] =	stream.indirect_vreg.gather @!p0 [hbm4b:s7+s0], $0x80, v3, vm1, $0xb8;
	[tilespmem:$0x10800] =	vst v63  }
0x19b: {  	s17 =	simm.s32 @!p0 $0x4000  }
0x19c: {  	[tilespmem:s17], [sflag:$0x2] =	stream.indirect_vreg.gather @!p0 [hbm4b:s8+s0], $0x80, v3, vm1, $0xb8;
	[tilespmem:$0x10800] =	vst v63  }
.Ltmp3:
0x19d: {  	_ = 	snop;
	(pc) =	sbr.rel @p0 .LBB2_6-.Ltmp3, $4  }
0x19e: {  	_ =	swait.ge [sflag:s14], $0x2000  }
0x19f: {  	s4 =	simm.s32 $0x4800;
	[sflag:s14] =	ssyncset.done $0x0  }
0x1a0: {  	s16 =	simm.s32 $0x6800;
	s25 =	sadd.s32 $0x3800, s31;
	[sflag:s14] =	ssyncadd.s32 $0xFFFFE000  }
0x1a1: {  	[hbm4b:s25+s3] =	stream.linear.scatter [tilespmem:s6], [sflag:$0xF], $0x2000, $0x38;
	[tilespmem:$0x10800] =	vst v63  }
0x1a2: {  	_ =	swait.ge [sflag:s15], $0x2000  }
0x1a3: {  	[sflag:s15] =	ssyncset.done $0x0  }
0x1a4: {  	[sflag:s15] =	ssyncadd.s32 $0xFFFFE000  }
0x1a5: {  	v3 =	vld.msk [tilespmem:s20+$0xFFFFFFF8], $0xff;
	_ =	sdelay $0x4  }
0x1a6: {  	v4 =	vshll.u32 v3, $0x3  }
0x1a7: {  	v3 =	vand.u32 $0x7, v3;
	v4 =	vand.u32 $0xFFFFFFC0, v4  }
0x1a8: {  	v3 =	vor.u32 v3, v4  }
0x1a9: {  	v3 =	vperm.xlane v3, v1;
	_ =	sdelay $0x1  }
0x1aa: {  	v3 =	vadd.s32 v2, v3;
	_ =	sdelay $0x4  }
0x1ab: {  	[tilespmem:s4], [sflag:$0x3] =	stream.indirect_vreg.gather [hbm4b:s2+s3], $0x80, v3, vm0, $0xb8;
	[tilespmem:$0x10800] =	vst v63  }
0x1ac: {  	s0 =	simm.s32 $0x5000  }
0x1ad: {  	[tilespmem:s0], [sflag:$0x3] =	stream.indirect_vreg.gather [hbm4b:s5+s3], $0x80, v3, vm0, $0xb8;
	[tilespmem:$0x10800] =	vst v63  }
0x1ae: {  	s6 =	simm.s32 $0x5800  }
0x1af: {  	[tilespmem:s6], [sflag:$0x3] =	stream.indirect_vreg.gather [hbm4b:s7+s3], $0x80, v3, vm0, $0xb8;
	[tilespmem:$0x10800] =	vst v63  }
0x1b0: {  	s17 =	simm.s32 $0x6000  }
0x1b1: {  	[tilespmem:s17], [sflag:$0x3] =	stream.indirect_vreg.gather [hbm4b:s8+s3], $0x80, v3, vm0, $0xb8;
	[tilespmem:$0x10800] =	vst v63  }
0x1b2: {  	_ =	swait.ge [sflag:s22], $0x2000  }
0x1b3: {  	[sflag:s22] =	ssyncset.done $0x0  }
0x1b4: {  	s25 =	sadd.s32 $0x3C00, s31;
	[sflag:s22] =	ssyncadd.s32 $0xFFFFE000  }
0x1b5: {  	[hbm4b:s25+s3] =	stream.linear.scatter [tilespmem:s30], [sflag:$0x10], $0x2000, $0x38;
	[tilespmem:$0x10800] =	vst v63  }
0x1b6: {  	_ =	swait.ge [sflag:s23], $0x2000  }
0x1b7: {  	[sflag:s23] =	ssyncset.done $0x0  }
0x1b8: {  	[sflag:s23] =	ssyncadd.s32 $0xFFFFE000  }
0x1b9: {  	v3 =	vld.msk [tilespmem:s20+$0x0], $0xff;
	_ =	sdelay $0x4  }
0x1ba: {  	v63 =	vshll.u32 v3, $0x3  }
0x1bb: {  	v3 =	vand.u32 $0x7, v3;
	v4 =	vand.u32 $0xFFFFFFC0, v63  }
0x1bc: {  	v3 =	vor.u32 v3, v4  }
0x1bd: {  	v3 =	vperm.xlane v3, v1;
	_ =	sdelay $0x1  }
0x1be: {  	v3 =	vadd.s32 v2, v3;
	_ =	sdelay $0x4  }
0x1bf: {  	[tilespmem:s16], [sflag:$0x4] =	stream.indirect_vreg.gather [hbm4b:s2+s3], $0x80, v3, vm0, $0xb8;
	[tilespmem:$0x10800] =	vst v63  }
0x1c0: {  	s31 =	simm.s32 $0x7000  }
0x1c1: {  	[tilespmem:s31], [sflag:$0x4] =	stream.indirect_vreg.gather [hbm4b:s5+s3], $0x80, v3, vm0, $0xb8;
	[tilespmem:$0x10800] =	vst v63  }
.Ltmp4:
0x1c2: {  	_ = 	snop;
	(pc) =	sbr.rel .LBB2_4-.Ltmp4, $4  }
0x1c3: {  	s21 =	sadd.s32 $0x2000, s21  }
0x1c4: {  	[tilespmem:s24], [sflag:$0x4] =	stream.indirect_vreg.gather [hbm4b:s7+s3], $0x80, v3, vm0, $0xb8;
	[tilespmem:$0x10800] =	vst v63  }
0x1c5: {  	s4 =	simm.s32 $0x6800;
	s25 =	simm.s32 $0x4800;
	s20 =	sadd.s32 $0x40, s20  }
0x1c6: {  	[tilespmem:s12], [sflag:$0x4] =	stream.indirect_vreg.gather [hbm4b:s8+s3], $0x80, v3, vm0, $0xb8;
	[tilespmem:$0x10800] =	vst v63  }
.LBB2_7:
0x1c7: {  	_ =	sfence.sel $0x180000  }
0x1c8: {  	[bflag:$0x0] =	sbarrier.arrive $0xFFFF  }
0x1c9: {  	_ =	strace $0x90000047  }
0x1ca: {  	s0 =	stileid.u32;
	[bflag:$0x2] =	sbarrier.arrive $0xFFFF  }
0x1cb: {  	p0 =	sne.s32 s0, $0x0;
	s0 =	rddreg [dreg:$0x3]  }
0x1cc: {  	s0 =	sadd.s32 @!p0 $0x100000, s0  }
0x1cd: {  	[sflag:s0] =	ssyncadd.tile.s32 @!p0 $0x1;
	_ =	shalt  }
.Lfunc_end2:
_tile_overlayer_lowered:
.L_overlay_start_2:
0x1ce: {  	(tag) =	ssettag $0x2  }
0x1cf: {  	s0 =	rddreg [dreg:$0x0];
	s2 =	stileid.u32  }
0x1d0: {  	s1 =	rddreg [dreg:$0x1];
	p0 =	sne.s32 s2, $0x0  }
0x1d1: {  	s3 =	rddreg [dreg:$0x2];
	[bflag:$0x3] =	sbarrier.arrive $0xFFFF;
	s2 =	simm.s32 @!p0 $0x1C11  }
0x1d2: {  	[timem:s3], [sflag:s2] =	dma.local @!p0 [hbm:s0], s1  }
0x1d3: {  	s0 =	simm.s32 @!p0 $0x11  }
0x1d4: {  	_ =	swait.ge @!p0 [sflag:s0], s1  }
0x1d5: {  	s1 =	ssub.s32 @!p0 $0x0, s1;
	[sflag:s0] =	ssyncset.done @!p0 $0x0  }
0x1d6: {  	[sflag:s0] =	ssyncadd.s32 @!p0 s1  }
0x1d7: {  	[bflag:$0x3] =	sbarrier.arrive $0xFFFF  }
0x1d8: {  	_ =	shalt  }

</sc_bundles>
